<compile_context>
chip_gen: v7x
topology: tpu7x:2x2x1
jax: 0.10.2.dev20260603
libtpu: 0.0.44.dev20260713+nightly
codegen_flags: <defaults>
</compile_context>

<pallas_src>
import functools

import jax
import jax.numpy as jnp
from jax.experimental import pallas as pl

DGK = 16
NPOINTS = 2048
DOWN_NUM = 256

def _knn_kernel(q_ref, r_ref, idx_ref, *, k):
    q = q_ref[0]
    r = r_ref[0]
    dot = jnp.dot(q, r.T, preferred_element_type=jnp.float32)
    qq = jnp.sum(q * q, axis=1, keepdims=True)
    rr = jnp.sum(r * r, axis=1, keepdims=True)
    d = qq - 2.0 * dot + rr.T
    nk = d.shape[1]
    col = jax.lax.broadcasted_iota(jnp.int32, d.shape, 1)
    for i in range(k):
        dmin = jnp.min(d, axis=1, keepdims=True)
        cand = jnp.where(d <= dmin, col, nk)
        sel = jnp.min(cand, axis=1).astype(jnp.int32)
        idx_ref[0, :, i] = sel
        d = jnp.where(col == sel[:, None], 1e30, d)


def _knn_pallas(coor_q, coor_k, k=DGK, qblk=256):
    B, _, Nq = coor_q.shape
    Nk = coor_k.shape[2]
    qblk = min(qblk, Nq)
    q = jnp.transpose(coor_q, (0, 2, 1))
    r = jnp.transpose(coor_k, (0, 2, 1))
    qpad = jnp.pad(q, ((0, 0), (0, 0), (0, 5)))
    rpad = jnp.pad(r, ((0, 0), (0, 0), (0, 5)))
    grid = (B, Nq // qblk)
    return pl.pallas_call(
        functools.partial(_knn_kernel, k=k),
        grid=grid,
        in_specs=[
            pl.BlockSpec((1, qblk, 8), lambda b, i: (b, i, 0)),
            pl.BlockSpec((1, Nk, 8), lambda b, i: (b, 0, 0)),
        ],
        out_specs=pl.BlockSpec((1, qblk, k), lambda b, i: (b, i, 0)),
        out_shape=jax.ShapeDtypeStruct((B, Nq, k), jnp.int32),
    )(qpad, rpad)


def _mm_kernel(w_ref, f_ref, o_ref):
    o_ref[0] = jnp.dot(w_ref[...], f_ref[0],
                       preferred_element_type=jnp.float32)


def _mm_pallas(W, feat, mblk=4096):
    B, C2, Nq, K = feat.shape
    Co = W.shape[0]
    M = Nq * K
    mblk = min(mblk, M)
    f2 = feat.reshape(B, C2, M)
    grid = (B, M // mblk)
    out = pl.pallas_call(
        _mm_kernel,
        grid=grid,
        in_specs=[
            pl.BlockSpec((Co, C2), lambda b, i: (0, 0)),
            pl.BlockSpec((1, C2, mblk), lambda b, i: (b, 0, i)),
        ],
        out_specs=pl.BlockSpec((1, Co, mblk), lambda b, i: (b, 0, i)),
        out_shape=jax.ShapeDtypeStruct((B, Co, M), jnp.float32),
    )(W, f2)
    return out.reshape(B, Co, Nq, K)


def _get_graph_feature(coor_q, x_q, coor_k, x_k):
    idx = _knn_pallas(coor_q, coor_k)
    xk_t = x_k.transpose(0, 2, 1)
    feat = jax.vmap(lambda xk, ii: xk[ii])(xk_t, idx)
    feat = feat.transpose(0, 3, 1, 2)
    xq = x_q[:, :, :, None]
    return jnp.concatenate([feat - xq, jnp.broadcast_to(xq, feat.shape)],
                           axis=1)


def _group_norm(x, gamma, beta, groups=4, eps=1e-5):
    B, C, H, W = x.shape
    xg = x.reshape(B, groups, C // groups, H, W)
    m = jnp.mean(xg, axis=(2, 3, 4), keepdims=True)
    v = jnp.var(xg, axis=(2, 3, 4), keepdims=True)
    xg = (xg - m) / jnp.sqrt(v + eps)
    x = xg.reshape(B, C, H, W)
    return x * gamma[None, :, None, None] + beta[None, :, None, None]


def _conv_block(f, W, g, b):
    f = _mm_pallas(W, f)
    f = _group_norm(f, g, b)
    return jnp.where(f >= 0, f, 0.2 * f)


def _fps(xyz, n_samples):
    B, N, _ = xyz.shape
    dists0 = jnp.full((B, N), 1e10, dtype=xyz.dtype)
    init_last = jnp.zeros((B,), jnp.int32)

    def step(carry, _):
        dists, last = carry
        last_pt = xyz[jnp.arange(B), last]
        d = jnp.sum((xyz - last_pt[:, None, :]) ** 2, axis=-1)
        dists = jnp.minimum(dists, d)
        nxt = jnp.argmax(dists, axis=-1).astype(jnp.int32)
        return (dists, nxt), nxt

    _, rest = jax.lax.scan(step, (dists0, init_last), None,
                           length=n_samples - 1)
    return jnp.concatenate([init_last[:, None], rest.T], axis=1)


def _fps_downsample(coor, x, num_group):
    xyz = coor.transpose(0, 2, 1)
    fi = _fps(xyz, num_group)
    combined = jnp.concatenate([coor, x], axis=1)
    newc = jax.vmap(lambda c, ii: c[:, ii])(combined, fi)
    return newc[:, :3], newc[:, 3:]


def kernel(x, W_in, b_in, W1, g1, be1, W2, g2, be2, W3, g3, be3, W4, g4, be4):
    coor = x
    f = jnp.einsum('oi,bin->bon', W_in, x) + b_in[None, :, None]
    inpc_f = f
    f = _get_graph_feature(coor, f, coor, f)
    f = _conv_block(f, W1, g1, be1)
    f = jnp.max(f, axis=-1)
    coor_q, f_q = _fps_downsample(coor, f, NPOINTS // 2)
    f = _get_graph_feature(coor_q, f_q, coor, f)
    f = _conv_block(f, W2, g2, be2)
    f = jnp.max(f, axis=-1)
    xyz1, point1 = coor_q, f
    coor = coor_q
    f = _get_graph_feature(coor, f, coor, f)
    f = _conv_block(f, W3, g3, be3)
    f = jnp.max(f, axis=-1)
    coor_q, f_q = _fps_downsample(coor, f, DOWN_NUM)
    f = _get_graph_feature(coor_q, f_q, coor, f)
    f = _conv_block(f, W4, g4, be4)
    f = jnp.max(f, axis=-1)
    return (coor_q, f, xyz1, point1, inpc_f)

# --- scband reference (transcript-rebuilt; emitter-appended) ---
"""Pipeline reference for scband-dgcnn-grouper-11897059410080 (READ-ONLY COPY).

The authoritative reference and input builder live on the scoring server;
editing this copy changes nothing except your own understanding.
"""

import jax, jax.numpy as jnp
import numpy as np

DGK = 16
NPOINTS = 2048
DOWN_NUM = 256

def knn_idx(coor_k, coor_q, k):
    q = jax.lax.stop_gradient(coor_q).transpose(0, 2, 1)
    r = jax.lax.stop_gradient(coor_k).transpose(0, 2, 1)
    d = jnp.sum(q * q, -1)[:, :, None] - 2.0 * jnp.einsum('bqc,bkc->bqk', q, r) + jnp.sum(r * r, -1)[:, None, :]
    _, idx = jax.lax.top_k(-d, k)
    return idx

def get_graph_feature(coor_q, x_q, coor_k, x_k, k):
    idx = knn_idx(coor_k, coor_q, k)
    xk_t = x_k.transpose(0, 2, 1)
    feat = jax.vmap(lambda xk, ii: xk[ii])(xk_t, idx)
    feat = feat.transpose(0, 3, 1, 2)
    xq = x_q[:, :, :, None]
    feat = jnp.concatenate([feat - xq, jnp.broadcast_to(xq, feat.shape)], axis=1)
    return feat

def group_norm(x, gamma, beta, groups=4, eps=1e-5):
    B, C, H, W = x.shape
    xg = x.reshape(B, groups, C // groups, H, W)
    m = jnp.mean(xg, axis=(2, 3, 4), keepdims=True)
    v = jnp.var(xg, axis=(2, 3, 4), keepdims=True)
    xg = (xg - m) / jnp.sqrt(v + eps)
    x = xg.reshape(B, C, H, W)
    return x * gamma[None, :, None, None] + beta[None, :, None, None]

def conv_block(f, W, g, b):
    f = jnp.einsum('oi,bihw->bohw', W, f)
    f = group_norm(f, g, b)
    return jnp.where(f >= 0, f, 0.2 * f)

def fps(xyz, n_samples):
    B, N, _ = xyz.shape
    xyz = jax.lax.stop_gradient(xyz)
    dists0 = jnp.full((B, N), 1e10, dtype=xyz.dtype)
    init_last = jnp.zeros((B,), jnp.int32)
    def step(carry, _):
        dists, last = carry
        last_pt = xyz[jnp.arange(B), last]
        d = jnp.sum((xyz - last_pt[:, None, :]) ** 2, axis=-1)
        dists = jnp.minimum(dists, d)
        nxt = jnp.argmax(dists, axis=-1).astype(jnp.int32)
        return (dists, nxt), nxt
    _, rest = jax.lax.scan(step, (dists0, init_last), None, length=n_samples - 1)
    return jnp.concatenate([init_last[:, None], rest.T], axis=1)

def fps_downsample(coor, x, num_group):
    xyz = coor.transpose(0, 2, 1)
    fi = fps(xyz, num_group)
    combined = jnp.concatenate([coor, x], axis=1)
    newc = jax.vmap(lambda c, ii: c[:, ii])(combined, fi)
    return newc[:, :3], newc[:, 3:]

def _forward(x, W_in, b_in, W1, g1, be1, W2, g2, be2, W3, g3, be3, W4, g4, be4):
    coor = x
    f = jnp.einsum('oi,bin->bon', W_in, x) + b_in[None, :, None]
    inpc_f = f
    f = get_graph_feature(coor, f, coor, f, DGK)
    f = conv_block(f, W1, g1, be1)
    f = jnp.max(f, axis=-1)
    coor_q, f_q = fps_downsample(coor, f, NPOINTS // 2)
    f = get_graph_feature(coor_q, f_q, coor, f, DGK)
    f = conv_block(f, W2, g2, be2)
    f = jnp.max(f, axis=-1)
    xyz1, point1 = coor_q, f
    coor = coor_q
    f = get_graph_feature(coor, f, coor, f, DGK)
    f = conv_block(f, W3, g3, be3)
    f = jnp.max(f, axis=-1)
    coor_q, f_q = fps_downsample(coor, f, DOWN_NUM)
    f = get_graph_feature(coor_q, f_q, coor, f, DGK)
    f = conv_block(f, W4, g4, be4)
    f = jnp.max(f, axis=-1)
    return (coor_q, f, xyz1, point1, inpc_f)

def setup_inputs(seed: int = 0):
    key = jax.random.key(seed)
    ks = jax.random.split(key, 8)
    B, N = 8, 2048
    x = jax.random.normal(ks[0], (B, 3, N), dtype=jnp.float32)
    W_in = jax.random.normal(ks[1], (8, 3), dtype=jnp.float32) * 0.2
    b_in = jnp.zeros((8,), jnp.float32)
    W1 = jax.random.normal(ks[2], (32, 16), dtype=jnp.float32) * 0.1
    g1 = jnp.ones((32,), jnp.float32); be1 = jnp.zeros((32,), jnp.float32)
    W2 = jax.random.normal(ks[3], (64, 64), dtype=jnp.float32) * 0.1
    g2 = jnp.ones((64,), jnp.float32); be2 = jnp.zeros((64,), jnp.float32)
    W3 = jax.random.normal(ks[4], (64, 128), dtype=jnp.float32) * 0.1
    g3 = jnp.ones((64,), jnp.float32); be3 = jnp.zeros((64,), jnp.float32)
    W4 = jax.random.normal(ks[5], (128, 128), dtype=jnp.float32) * 0.1
    g4 = jnp.ones((128,), jnp.float32); be4 = jnp.zeros((128,), jnp.float32)
    return dict(x=x, W_in=W_in, b_in=b_in, W1=W1, g1=g1, be1=be1, W2=W2, g2=g2, be2=be2, W3=W3, g3=g3, be3=be3, W4=W4, g4=g4, be4=be4)

def reference(x, W_in, b_in, W1, g1, be1, W2, g2, be2, W3, g3, be3, W4, g4, be4):
    return _forward(x, W_in, b_in, W1, g1, be1, W2, g2, be2, W3, g3, be3, W4, g4, be4)

if __name__ == "__main__":
    import jax
    _d = setup_inputs()
    print(jax.jit(kernel)(*tuple(_d.values())))

</pallas_src>

<mosaic_0001>
module attributes {stable_mosaic.version = 14 : i64} {
  func.func @_knn_kernel(%arg0: i32, %arg1: i32, %arg2: memref<1x256x8xf32, #tpu.memory_space<vmem>>, %arg3: memref<1x2048x8xf32, #tpu.memory_space<vmem>>, %arg4: memref<1x256x16xi32, #tpu.memory_space<vmem>>) attributes {dimension_semantics = [#tpu.dimension_semantics<arbitrary>, #tpu.dimension_semantics<arbitrary>], iteration_bounds = array<i64: 8, 8>, scalar_prefetch = 0 : i64, scratch_operands = 0 : i64, tpu.core_type = #tpu.core_type<tc>, window_params = [{transform_indices = @transform_0, window_bounds = array<i64: 1, 256, 8>}, {transform_indices = @transform_1, window_bounds = array<i64: 1, 2048, 8>}, {transform_indices = @transform_2, window_bounds = array<i64: 1, 256, 16>}]} {
    %get3A = arith.constant 0 : index
    %get3A_0 = arith.constant 0 : index
    %get3A_1 = arith.constant 0 : index
    %get3A_2 = vector.load %arg2[%get3A, %get3A_0, %get3A_1] : memref<1x256x8xf32, #tpu.memory_space<vmem>>, vector<1x256x8xf32>
    %get3A_3 = vector.shape_cast %get3A_2 : vector<1x256x8xf32> to vector<256x8xf32>
    %get3A_4 = arith.constant 0 : index
    %get3A_5 = arith.constant 0 : index
    %get3A_6 = arith.constant 0 : index
    %get3A_7 = vector.load %arg3[%get3A_4, %get3A_5, %get3A_6] : memref<1x2048x8xf32, #tpu.memory_space<vmem>>, vector<1x2048x8xf32>
    %get3A_8 = vector.shape_cast %get3A_7 : vector<1x2048x8xf32> to vector<2048x8xf32>
    %transpose3A = tpu.transpose %get3A_8, [1, 0] : vector<2048x8xf32> -> vector<8x2048xf32>
    %dot_general3A = arith.constant dense<0.000000e+00> : vector<256x2048xf32>
    %dot_general3A_9 = tpu.matmul %get3A_3, %transpose3A, %dot_general3A {dimension_numbers = #tpu.dot_dimension_numbers<[1], [0], [0], [1], [0, 0, 1, 1], [], []>, transpose_lhs_hint = false} : vector<256x8xf32>, vector<8x2048xf32>, vector<256x2048xf32> -> vector<256x2048xf32>
    %mul3A = arith.mulf %get3A_3, %get3A_3 : vector<256x8xf32>
    %reduce_sum3A = arith.constant dense<0.000000e+00> : vector<256xf32>
    %reduce_sum3A_10 = vector.multi_reduction <add>, %mul3A, %reduce_sum3A [1] : vector<256x8xf32> to vector<256xf32>
    %broadcast_in_dim3A = vector.shape_cast %reduce_sum3A_10 : vector<256xf32> to vector<256x1xf32>
    %mul3A_11 = arith.mulf %get3A_8, %get3A_8 : vector<2048x8xf32>
    %reduce_sum3A_12 = arith.constant dense<0.000000e+00> : vector<2048xf32>
    %reduce_sum3A_13 = vector.multi_reduction <add>, %mul3A_11, %reduce_sum3A_12 [1] : vector<2048x8xf32> to vector<2048xf32>
    %broadcast_in_dim3A_14 = vector.shape_cast %reduce_sum3A_13 : vector<2048xf32> to vector<2048x1xf32>
    %mul3A_15 = arith.constant 2.000000e+00 : f32
    %mul3A_16 = vector.broadcast %mul3A_15 : f32 to vector<256x2048xf32>
    %mul3A_17 = arith.mulf %mul3A_16, %dot_general3A_9 : vector<256x2048xf32>
    %sub3A = vector.broadcast %broadcast_in_dim3A : vector<256x1xf32> to vector<256x2048xf32>
    %sub3A_18 = arith.subf %sub3A, %mul3A_17 : vector<256x2048xf32>
    %transpose3A_19 = tpu.transpose %broadcast_in_dim3A_14, [1, 0] : vector<2048x1xf32> -> vector<1x2048xf32>
    %add3A = vector.broadcast %transpose3A_19 : vector<1x2048xf32> to vector<256x2048xf32>
    %add3A_20 = arith.addf %sub3A_18, %add3A : vector<256x2048xf32>
    %iota3A = tpu.iota {dimensions = array<i32: 1>} : vector<256x2048xi32>
    %reduce_min3A = arith.constant dense<0x7F800000> : vector<256xf32>
    %reduce_min3A_21 = vector.multi_reduction <minimumf>, %add3A_20, %reduce_min3A [1] : vector<256x2048xf32> to vector<256xf32>
    %broadcast_in_dim3A_22 = vector.shape_cast %reduce_min3A_21 : vector<256xf32> to vector<256x1xf32>
    %le3A = vector.broadcast %broadcast_in_dim3A_22 : vector<256x1xf32> to vector<256x2048xf32>
    %le3A_23 = arith.cmpf ole, %add3A_20, %le3A : vector<256x2048xf32>
    %jit3A = arith.constant 2048 : i32
    %broadcast_in_dim3A_24 = vector.broadcast %jit3A : i32 to vector<256x2048xi32>
    %select_n3A = arith.select %le3A_23, %iota3A, %broadcast_in_dim3A_24 : vector<256x2048xi1>, vector<256x2048xi32>
    %reduce_min3A_25 = arith.constant dense<2147483647> : vector<256xi32>
    %reduce_min3A_26 = vector.multi_reduction <minsi>, %select_n3A, %reduce_min3A_25 [1] : vector<256x2048xi32> to vector<256xi32>
    %swap3A = arith.constant 0 : index
    %swap3A_27 = arith.constant 0 : index
    %swap3A_28 = arith.constant 0 : index
    %swap3A_29 = vector.load %arg4[%swap3A, %swap3A_27, %swap3A_28] : memref<1x256x16xi32, #tpu.memory_space<vmem>>, vector<1x256x1xi32>
    %swap3A_30 = vector.shape_cast %swap3A_29 : vector<1x256x1xi32> to vector<256xi32>
    %swap3A_31 = vector.shape_cast %reduce_min3A_26 : vector<256xi32> to vector<1x256x1xi32>
    tpu.vector_store %arg4[%swap3A, %swap3A_27, %swap3A_28], %swap3A_31 {strides = array<i32>} : memref<1x256x16xi32, #tpu.memory_space<vmem>>, vector<1x256x1xi32>,
    %broadcast_in_dim3A_32 = vector.shape_cast %reduce_min3A_26 : vector<256xi32> to vector<256x1xi32>
    %eq3A = vector.broadcast %broadcast_in_dim3A_32 : vector<256x1xi32> to vector<256x2048xi32>
    %eq3A_33 = arith.cmpi eq, %iota3A, %eq3A : vector<256x2048xi32>
    %jit3A_34 = arith.constant 1.000000e+30 : f32
    %broadcast_in_dim3A_35 = vector.broadcast %jit3A_34 : f32 to vector<256x2048xf32>
    %select_n3A_36 = arith.select %eq3A_33, %broadcast_in_dim3A_35, %add3A_20 : vector<256x2048xi1>, vector<256x2048xf32>
    %reduce_min3A_37 = arith.constant dense<0x7F800000> : vector<256xf32>
    %reduce_min3A_38 = vector.multi_reduction <minimumf>, %select_n3A_36, %reduce_min3A_37 [1] : vector<256x2048xf32> to vector<256xf32>
    %broadcast_in_dim3A_39 = vector.shape_cast %reduce_min3A_38 : vector<256xf32> to vector<256x1xf32>
    %le3A_40 = vector.broadcast %broadcast_in_dim3A_39 : vector<256x1xf32> to vector<256x2048xf32>
    %le3A_41 = arith.cmpf ole, %select_n3A_36, %le3A_40 : vector<256x2048xf32>
    %jit3A_42 = arith.constant 2048 : i32
    %broadcast_in_dim3A_43 = vector.broadcast %jit3A_42 : i32 to vector<256x2048xi32>
    %select_n3A_44 = arith.select %le3A_41, %iota3A, %broadcast_in_dim3A_43 : vector<256x2048xi1>, vector<256x2048xi32>
    %reduce_min3A_45 = arith.constant dense<2147483647> : vector<256xi32>
    %reduce_min3A_46 = vector.multi_reduction <minsi>, %select_n3A_44, %reduce_min3A_45 [1] : vector<256x2048xi32> to vector<256xi32>
    %swap3A_47 = arith.constant 0 : index
    %swap3A_48 = arith.constant 0 : index
    %swap3A_49 = arith.constant 1 : index
    %swap3A_50 = vector.load %arg4[%swap3A_47, %swap3A_48, %swap3A_49] : memref<1x256x16xi32, #tpu.memory_space<vmem>>, vector<1x256x1xi32>
    %swap3A_51 = vector.shape_cast %swap3A_50 : vector<1x256x1xi32> to vector<256xi32>
    %swap3A_52 = vector.shape_cast %reduce_min3A_46 : vector<256xi32> to vector<1x256x1xi32>
    tpu.vector_store %arg4[%swap3A_47, %swap3A_48, %swap3A_49], %swap3A_52 {strides = array<i32>} : memref<1x256x16xi32, #tpu.memory_space<vmem>>, vector<1x256x1xi32>,
    %broadcast_in_dim3A_53 = vector.shape_cast %reduce_min3A_46 : vector<256xi32> to vector<256x1xi32>
    %eq3A_54 = vector.broadcast %broadcast_in_dim3A_53 : vector<256x1xi32> to vector<256x2048xi32>
    %eq3A_55 = arith.cmpi eq, %iota3A, %eq3A_54 : vector<256x2048xi32>
    %jit3A_56 = arith.constant 1.000000e+30 : f32
    %broadcast_in_dim3A_57 = vector.broadcast %jit3A_56 : f32 to vector<256x2048xf32>
    %select_n3A_58 = arith.select %eq3A_55, %broadcast_in_dim3A_57, %select_n3A_36 : vector<256x2048xi1>, vector<256x2048xf32>
    %reduce_min3A_59 = arith.constant dense<0x7F800000> : vector<256xf32>
    %reduce_min3A_60 = vector.multi_reduction <minimumf>, %select_n3A_58, %reduce_min3A_59 [1] : vector<256x2048xf32> to vector<256xf32>
    %broadcast_in_dim3A_61 = vector.shape_cast %reduce_min3A_60 : vector<256xf32> to vector<256x1xf32>
    %le3A_62 = vector.broadcast %broadcast_in_dim3A_61 : vector<256x1xf32> to vector<256x2048xf32>
    %le3A_63 = arith.cmpf ole, %select_n3A_58, %le3A_62 : vector<256x2048xf32>
    %jit3A_64 = arith.constant 2048 : i32
    %broadcast_in_dim3A_65 = vector.broadcast %jit3A_64 : i32 to vector<256x2048xi32>
    %select_n3A_66 = arith.select %le3A_63, %iota3A, %broadcast_in_dim3A_65 : vector<256x2048xi1>, vector<256x2048xi32>
    %reduce_min3A_67 = arith.constant dense<2147483647> : vector<256xi32>
    %reduce_min3A_68 = vector.multi_reduction <minsi>, %select_n3A_66, %reduce_min3A_67 [1] : vector<256x2048xi32> to vector<256xi32>
    %swap3A_69 = arith.constant 0 : index
    %swap3A_70 = arith.constant 0 : index
    %swap3A_71 = arith.constant 2 : index
    %swap3A_72 = vector.load %arg4[%swap3A_69, %swap3A_70, %swap3A_71] : memref<1x256x16xi32, #tpu.memory_space<vmem>>, vector<1x256x1xi32>
    %swap3A_73 = vector.shape_cast %swap3A_72 : vector<1x256x1xi32> to vector<256xi32>
    %swap3A_74 = vector.shape_cast %reduce_min3A_68 : vector<256xi32> to vector<1x256x1xi32>
    tpu.vector_store %arg4[%swap3A_69, %swap3A_70, %swap3A_71], %swap3A_74 {strides = array<i32>} : memref<1x256x16xi32, #tpu.memory_space<vmem>>, vector<1x256x1xi32>,
    %broadcast_in_dim3A_75 = vector.shape_cast %reduce_min3A_68 : vector<256xi32> to vector<256x1xi32>
    %eq3A_76 = vector.broadcast %broadcast_in_dim3A_75 : vector<256x1xi32> to vector<256x2048xi32>
    %eq3A_77 = arith.cmpi eq, %iota3A, %eq3A_76 : vector<256x2048xi32>
    %jit3A_78 = arith.constant 1.000000e+30 : f32
    %broadcast_in_dim3A_79 = vector.broadcast %jit3A_78 : f32 to vector<256x2048xf32>
    %select_n3A_80 = arith.select %eq3A_77, %broadcast_in_dim3A_79, %select_n3A_58 : vector<256x2048xi1>, vector<256x2048xf32>
    %reduce_min3A_81 = arith.constant dense<0x7F800000> : vector<256xf32>
    %reduce_min3A_82 = vector.multi_reduction <minimumf>, %select_n3A_80, %reduce_min3A_81 [1] : vector<256x2048xf32> to vector<256xf32>
    %broadcast_in_dim3A_83 = vector.shape_cast %reduce_min3A_82 : vector<256xf32> to vector<256x1xf32>
    %le3A_84 = vector.broadcast %broadcast_in_dim3A_83 : vector<256x1xf32> to vector<256x2048xf32>
    %le3A_85 = arith.cmpf ole, %select_n3A_80, %le3A_84 : vector<256x2048xf32>
    %jit3A_86 = arith.constant 2048 : i32
    %broadcast_in_dim3A_87 = vector.broadcast %jit3A_86 : i32 to vector<256x2048xi32>
    %select_n3A_88 = arith.select %le3A_85, %iota3A, %broadcast_in_dim3A_87 : vector<256x2048xi1>, vector<256x2048xi32>
    %reduce_min3A_89 = arith.constant dense<2147483647> : vector<256xi32>
    %reduce_min3A_90 = vector.multi_reduction <minsi>, %select_n3A_88, %reduce_min3A_89 [1] : vector<256x2048xi32> to vector<256xi32>
    %swap3A_91 = arith.constant 0 : index
    %swap3A_92 = arith.constant 0 : index
    %swap3A_93 = arith.constant 3 : index
    %swap3A_94 = vector.load %arg4[%swap3A_91, %swap3A_92, %swap3A_93] : memref<1x256x16xi32, #tpu.memory_space<vmem>>, vector<1x256x1xi32>
    %swap3A_95 = vector.shape_cast %swap3A_94 : vector<1x256x1xi32> to vector<256xi32>
    %swap3A_96 = vector.shape_cast %reduce_min3A_90 : vector<256xi32> to vector<1x256x1xi32>
    tpu.vector_store %arg4[%swap3A_91, %swap3A_92, %swap3A_93], %swap3A_96 {strides = array<i32>} : memref<1x256x16xi32, #tpu.memory_space<vmem>>, vector<1x256x1xi32>,
    %broadcast_in_dim3A_97 = vector.shape_cast %reduce_min3A_90 : vector<256xi32> to vector<256x1xi32>
    %eq3A_98 = vector.broadcast %broadcast_in_dim3A_97 : vector<256x1xi32> to vector<256x2048xi32>
    %eq3A_99 = arith.cmpi eq, %iota3A, %eq3A_98 : vector<256x2048xi32>
    %jit3A_100 = arith.constant 1.000000e+30 : f32
    %broadcast_in_dim3A_101 = vector.broadcast %jit3A_100 : f32 to vector<256x2048xf32>
    %select_n3A_102 = arith.select %eq3A_99, %broadcast_in_dim3A_101, %select_n3A_80 : vector<256x2048xi1>, vector<256x2048xf32>
    %reduce_min3A_103 = arith.constant dense<0x7F800000> : vector<256xf32>
    %reduce_min3A_104 = vector.multi_reduction <minimumf>, %select_n3A_102, %reduce_min3A_103 [1] : vector<256x2048xf32> to vector<256xf32>
    %broadcast_in_dim3A_105 = vector.shape_cast %reduce_min3A_104 : vector<256xf32> to vector<256x1xf32>
    %le3A_106 = vector.broadcast %broadcast_in_dim3A_105 : vector<256x1xf32> to vector<256x2048xf32>
    %le3A_107 = arith.cmpf ole, %select_n3A_102, %le3A_106 : vector<256x2048xf32>
    %jit3A_108 = arith.constant 2048 : i32
    %broadcast_in_dim3A_109 = vector.broadcast %jit3A_108 : i32 to vector<256x2048xi32>
    %select_n3A_110 = arith.select %le3A_107, %iota3A, %broadcast_in_dim3A_109 : vector<256x2048xi1>, vector<256x2048xi32>
    %reduce_min3A_111 = arith.constant dense<2147483647> : vector<256xi32>
    %reduce_min3A_112 = vector.multi_reduction <minsi>, %select_n3A_110, %reduce_min3A_111 [1] : vector<256x2048xi32> to vector<256xi32>
    %swap3A_113 = arith.constant 0 : index
    %swap3A_114 = arith.constant 0 : index
    %swap3A_115 = arith.constant 4 : index
    %swap3A_116 = vector.load %arg4[%swap3A_113, %swap3A_114, %swap3A_115] : memref<1x256x16xi32, #tpu.memory_space<vmem>>, vector<1x256x1xi32>
    %swap3A_117 = vector.shape_cast %swap3A_116 : vector<1x256x1xi32> to vector<256xi32>
    %swap3A_118 = vector.shape_cast %reduce_min3A_112 : vector<256xi32> to vector<1x256x1xi32>
    tpu.vector_store %arg4[%swap3A_113, %swap3A_114, %swap3A_115], %swap3A_118 {strides = array<i32>} : memref<1x256x16xi32, #tpu.memory_space<vmem>>, vector<1x256x1xi32>,
    %broadcast_in_dim3A_119 = vector.shape_cast %reduce_min3A_112 : vector<256xi32> to vector<256x1xi32>
    %eq3A_120 = vector.broadcast %broadcast_in_dim3A_119 : vector<256x1xi32> to vector<256x2048xi32>
    %eq3A_121 = arith.cmpi eq, %iota3A, %eq3A_120 : vector<256x2048xi32>
    %jit3A_122 = arith.constant 1.000000e+30 : f32
    %broadcast_in_dim3A_123 = vector.broadcast %jit3A_122 : f32 to vector<256x2048xf32>
    %select_n3A_124 = arith.select %eq3A_121, %broadcast_in_dim3A_123, %select_n3A_102 : vector<256x2048xi1>, vector<256x2048xf32>
    %reduce_min3A_125 = arith.constant dense<0x7F800000> : vector<256xf32>
    %reduce_min3A_126 = vector.multi_reduction <minimumf>, %select_n3A_124, %reduce_min3A_125 [1] : vector<256x2048xf32> to vector<256xf32>
    %broadcast_in_dim3A_127 = vector.shape_cast %reduce_min3A_126 : vector<256xf32> to vector<256x1xf32>
    %le3A_128 = vector.broadcast %broadcast_in_dim3A_127 : vector<256x1xf32> to vector<256x2048xf32>
    %le3A_129 = arith.cmpf ole, %select_n3A_124, %le3A_128 : vector<256x2048xf32>
    %jit3A_130 = arith.constant 2048 : i32
    %broadcast_in_dim3A_131 = vector.broadcast %jit3A_130 : i32 to vector<256x2048xi32>
    %select_n3A_132 = arith.select %le3A_129, %iota3A, %broadcast_in_dim3A_131 : vector<256x2048xi1>, vector<256x2048xi32>
    %reduce_min3A_133 = arith.constant dense<2147483647> : vector<256xi32>
    %reduce_min3A_134 = vector.multi_reduction <minsi>, %select_n3A_132, %reduce_min3A_133 [1] : vector<256x2048xi32> to vector<256xi32>
    %swap3A_135 = arith.constant 0 : index
    %swap3A_136 = arith.constant 0 : index
    %swap3A_137 = arith.constant 5 : index
    %swap3A_138 = vector.load %arg4[%swap3A_135, %swap3A_136, %swap3A_137] : memref<1x256x16xi32, #tpu.memory_space<vmem>>, vector<1x256x1xi32>
    %swap3A_139 = vector.shape_cast %swap3A_138 : vector<1x256x1xi32> to vector<256xi32>
    %swap3A_140 = vector.shape_cast %reduce_min3A_134 : vector<256xi32> to vector<1x256x1xi32>
    tpu.vector_store %arg4[%swap3A_135, %swap3A_136, %swap3A_137], %swap3A_140 {strides = array<i32>} : memref<1x256x16xi32, #tpu.memory_space<vmem>>, vector<1x256x1xi32>,
    %broadcast_in_dim3A_141 = vector.shape_cast %reduce_min3A_134 : vector<256xi32> to vector<256x1xi32>
    %eq3A_142 = vector.broadcast %broadcast_in_dim3A_141 : vector<256x1xi32> to vector<256x2048xi32>
    %eq3A_143 = arith.cmpi eq, %iota3A, %eq3A_142 : vector<256x2048xi32>
    %jit3A_144 = arith.constant 1.000000e+30 : f32
    %broadcast_in_dim3A_145 = vector.broadcast %jit3A_144 : f32 to vector<256x2048xf32>
    %select_n3A_146 = arith.select %eq3A_143, %broadcast_in_dim3A_145, %select_n3A_124 : vector<256x2048xi1>, vector<256x2048xf32>
    %reduce_min3A_147 = arith.constant dense<0x7F800000> : vector<256xf32>
    %reduce_min3A_148 = vector.multi_reduction <minimumf>, %select_n3A_146, %reduce_min3A_147 [1] : vector<256x2048xf32> to vector<256xf32>
    %broadcast_in_dim3A_149 = vector.shape_cast %reduce_min3A_148 : vector<256xf32> to vector<256x1xf32>
    %le3A_150 = vector.broadcast %broadcast_in_dim3A_149 : vector<256x1xf32> to vector<256x2048xf32>
    %le3A_151 = arith.cmpf ole, %select_n3A_146, %le3A_150 : vector<256x2048xf32>
    %jit3A_152 = arith.constant 2048 : i32
    %broadcast_in_dim3A_153 = vector.broadcast %jit3A_152 : i32 to vector<256x2048xi32>
    %select_n3A_154 = arith.select %le3A_151, %iota3A, %broadcast_in_dim3A_153 : vector<256x2048xi1>, vector<256x2048xi32>
    %reduce_min3A_155 = arith.constant dense<2147483647> : vector<256xi32>
    %reduce_min3A_156 = vector.multi_reduction <minsi>, %select_n3A_154, %reduce_min3A_155 [1] : vector<256x2048xi32> to vector<256xi32>
    %swap3A_157 = arith.constant 0 : index
    %swap3A_158 = arith.constant 0 : index
    %swap3A_159 = arith.constant 6 : index
    %swap3A_160 = vector.load %arg4[%swap3A_157, %swap3A_158, %swap3A_159] : memref<1x256x16xi32, #tpu.memory_space<vmem>>, vector<1x256x1xi32>
    %swap3A_161 = vector.shape_cast %swap3A_160 : vector<1x256x1xi32> to vector<256xi32>
    %swap3A_162 = vector.shape_cast %reduce_min3A_156 : vector<256xi32> to vector<1x256x1xi32>
    tpu.vector_store %arg4[%swap3A_157, %swap3A_158, %swap3A_159], %swap3A_162 {strides = array<i32>} : memref<1x256x16xi32, #tpu.memory_space<vmem>>, vector<1x256x1xi32>,
    %broadcast_in_dim3A_163 = vector.shape_cast %reduce_min3A_156 : vector<256xi32> to vector<256x1xi32>
    %eq3A_164 = vector.broadcast %broadcast_in_dim3A_163 : vector<256x1xi32> to vector<256x2048xi32>
    %eq3A_165 = arith.cmpi eq, %iota3A, %eq3A_164 : vector<256x2048xi32>
    %jit3A_166 = arith.constant 1.000000e+30 : f32
    %broadcast_in_dim3A_167 = vector.broadcast %jit3A_166 : f32 to vector<256x2048xf32>
    %select_n3A_168 = arith.select %eq3A_165, %broadcast_in_dim3A_167, %select_n3A_146 : vector<256x2048xi1>, vector<256x2048xf32>
    %reduce_min3A_169 = arith.constant dense<0x7F800000> : vector<256xf32>
    %reduce_min3A_170 = vector.multi_reduction <minimumf>, %select_n3A_168, %reduce_min3A_169 [1] : vector<256x2048xf32> to vector<256xf32>
    %broadcast_in_dim3A_171 = vector.shape_cast %reduce_min3A_170 : vector<256xf32> to vector<256x1xf32>
    %le3A_172 = vector.broadcast %broadcast_in_dim3A_171 : vector<256x1xf32> to vector<256x2048xf32>
    %le3A_173 = arith.cmpf ole, %select_n3A_168, %le3A_172 : vector<256x2048xf32>
    %jit3A_174 = arith.constant 2048 : i32
    %broadcast_in_dim3A_175 = vector.broadcast %jit3A_174 : i32 to vector<256x2048xi32>
    %select_n3A_176 = arith.select %le3A_173, %iota3A, %broadcast_in_dim3A_175 : vector<256x2048xi1>, vector<256x2048xi32>
    %reduce_min3A_177 = arith.constant dense<2147483647> : vector<256xi32>
    %reduce_min3A_178 = vector.multi_reduction <minsi>, %select_n3A_176, %reduce_min3A_177 [1] : vector<256x2048xi32> to vector<256xi32>
    %swap3A_179 = arith.constant 0 : index
    %swap3A_180 = arith.constant 0 : index
    %swap3A_181 = arith.constant 7 : index
    %swap3A_182 = vector.load %arg4[%swap3A_179, %swap3A_180, %swap3A_181] : memref<1x256x16xi32, #tpu.memory_space<vmem>>, vector<1x256x1xi32>
    %swap3A_183 = vector.shape_cast %swap3A_182 : vector<1x256x1xi32> to vector<256xi32>
    %swap3A_184 = vector.shape_cast %reduce_min3A_178 : vector<256xi32> to vector<1x256x1xi32>
    tpu.vector_store %arg4[%swap3A_179, %swap3A_180, %swap3A_181], %swap3A_184 {strides = array<i32>} : memref<1x256x16xi32, #tpu.memory_space<vmem>>, vector<1x256x1xi32>,
    %broadcast_in_dim3A_185 = vector.shape_cast %reduce_min3A_178 : vector<256xi32> to vector<256x1xi32>
    %eq3A_186 = vector.broadcast %broadcast_in_dim3A_185 : vector<256x1xi32> to vector<256x2048xi32>
    %eq3A_187 = arith.cmpi eq, %iota3A, %eq3A_186 : vector<256x2048xi32>
    %jit3A_188 = arith.constant 1.000000e+30 : f32
    %broadcast_in_dim3A_189 = vector.broadcast %jit3A_188 : f32 to vector<256x2048xf32>
    %select_n3A_190 = arith.select %eq3A_187, %broadcast_in_dim3A_189, %select_n3A_168 : vector<256x2048xi1>, vector<256x2048xf32>
    %reduce_min3A_191 = arith.constant dense<0x7F800000> : vector<256xf32>
    %reduce_min3A_192 = vector.multi_reduction <minimumf>, %select_n3A_190, %reduce_min3A_191 [1] : vector<256x2048xf32> to vector<256xf32>
    %broadcast_in_dim3A_193 = vector.shape_cast %reduce_min3A_192 : vector<256xf32> to vector<256x1xf32>
    %le3A_194 = vector.broadcast %broadcast_in_dim3A_193 : vector<256x1xf32> to vector<256x2048xf32>
    %le3A_195 = arith.cmpf ole, %select_n3A_190, %le3A_194 : vector<256x2048xf32>
    %jit3A_196 = arith.constant 2048 : i32
    %broadcast_in_dim3A_197 = vector.broadcast %jit3A_196 : i32 to vector<256x2048xi32>
    %select_n3A_198 = arith.select %le3A_195, %iota3A, %broadcast_in_dim3A_197 : vector<256x2048xi1>, vector<256x2048xi32>
    %reduce_min3A_199 = arith.constant dense<2147483647> : vector<256xi32>
    %reduce_min3A_200 = vector.multi_reduction <minsi>, %select_n3A_198, %reduce_min3A_199 [1] : vector<256x2048xi32> to vector<256xi32>
    %swap3A_201 = arith.constant 0 : index
    %swap3A_202 = arith.constant 0 : index
    %swap3A_203 = arith.constant 8 : index
    %swap3A_204 = vector.load %arg4[%swap3A_201, %swap3A_202, %swap3A_203] : memref<1x256x16xi32, #tpu.memory_space<vmem>>, vector<1x256x1xi32>
    %swap3A_205 = vector.shape_cast %swap3A_204 : vector<1x256x1xi32> to vector<256xi32>
    %swap3A_206 = vector.shape_cast %reduce_min3A_200 : vector<256xi32> to vector<1x256x1xi32>
    tpu.vector_store %arg4[%swap3A_201, %swap3A_202, %swap3A_203], %swap3A_206 {strides = array<i32>} : memref<1x256x16xi32, #tpu.memory_space<vmem>>, vector<1x256x1xi32>,
    %broadcast_in_dim3A_207 = vector.shape_cast %reduce_min3A_200 : vector<256xi32> to vector<256x1xi32>
    %eq3A_208 = vector.broadcast %broadcast_in_dim3A_207 : vector<256x1xi32> to vector<256x2048xi32>
    %eq3A_209 = arith.cmpi eq, %iota3A, %eq3A_208 : vector<256x2048xi32>
    %jit3A_210 = arith.constant 1.000000e+30 : f32
    %broadcast_in_dim3A_211 = vector.broadcast %jit3A_210 : f32 to vector<256x2048xf32>
    %select_n3A_212 = arith.select %eq3A_209, %broadcast_in_dim3A_211, %select_n3A_190 : vector<256x2048xi1>, vector<256x2048xf32>
    %reduce_min3A_213 = arith.constant dense<0x7F800000> : vector<256xf32>
    %reduce_min3A_214 = vector.multi_reduction <minimumf>, %select_n3A_212, %reduce_min3A_213 [1] : vector<256x2048xf32> to vector<256xf32>
    %broadcast_in_dim3A_215 = vector.shape_cast %reduce_min3A_214 : vector<256xf32> to vector<256x1xf32>
    %le3A_216 = vector.broadcast %broadcast_in_dim3A_215 : vector<256x1xf32> to vector<256x2048xf32>
    %le3A_217 = arith.cmpf ole, %select_n3A_212, %le3A_216 : vector<256x2048xf32>
    %jit3A_218 = arith.constant 2048 : i32
    %broadcast_in_dim3A_219 = vector.broadcast %jit3A_218 : i32 to vector<256x2048xi32>
    %select_n3A_220 = arith.select %le3A_217, %iota3A, %broadcast_in_dim3A_219 : vector<256x2048xi1>, vector<256x2048xi32>
    %reduce_min3A_221 = arith.constant dense<2147483647> : vector<256xi32>
    %reduce_min3A_222 = vector.multi_reduction <minsi>, %select_n3A_220, %reduce_min3A_221 [1] : vector<256x2048xi32> to vector<256xi32>
    %swap3A_223 = arith.constant 0 : index
    %swap3A_224 = arith.constant 0 : index
    %swap3A_225 = arith.constant 9 : index
    %swap3A_226 = vector.load %arg4[%swap3A_223, %swap3A_224, %swap3A_225] : memref<1x256x16xi32, #tpu.memory_space<vmem>>, vector<1x256x1xi32>
    %swap3A_227 = vector.shape_cast %swap3A_226 : vector<1x256x1xi32> to vector<256xi32>
    %swap3A_228 = vector.shape_cast %reduce_min3A_222 : vector<256xi32> to vector<1x256x1xi32>
    tpu.vector_store %arg4[%swap3A_223, %swap3A_224, %swap3A_225], %swap3A_228 {strides = array<i32>} : memref<1x256x16xi32, #tpu.memory_space<vmem>>, vector<1x256x1xi32>,
    %broadcast_in_dim3A_229 = vector.shape_cast %reduce_min3A_222 : vector<256xi32> to vector<256x1xi32>
    %eq3A_230 = vector.broadcast %broadcast_in_dim3A_229 : vector<256x1xi32> to vector<256x2048xi32>
    %eq3A_231 = arith.cmpi eq, %iota3A, %eq3A_230 : vector<256x2048xi32>
    %jit3A_232 = arith.constant 1.000000e+30 : f32
    %broadcast_in_dim3A_233 = vector.broadcast %jit3A_232 : f32 to vector<256x2048xf32>
    %select_n3A_234 = arith.select %eq3A_231, %broadcast_in_dim3A_233, %select_n3A_212 : vector<256x2048xi1>, vector<256x2048xf32>
    %reduce_min3A_235 = arith.constant dense<0x7F800000> : vector<256xf32>
    %reduce_min3A_236 = vector.multi_reduction <minimumf>, %select_n3A_234, %reduce_min3A_235 [1] : vector<256x2048xf32> to vector<256xf32>
    %broadcast_in_dim3A_237 = vector.shape_cast %reduce_min3A_236 : vector<256xf32> to vector<256x1xf32>
    %le3A_238 = vector.broadcast %broadcast_in_dim3A_237 : vector<256x1xf32> to vector<256x2048xf32>
    %le3A_239 = arith.cmpf ole, %select_n3A_234, %le3A_238 : vector<256x2048xf32>
    %jit3A_240 = arith.constant 2048 : i32
    %broadcast_in_dim3A_241 = vector.broadcast %jit3A_240 : i32 to vector<256x2048xi32>
    %select_n3A_242 = arith.select %le3A_239, %iota3A, %broadcast_in_dim3A_241 : vector<256x2048xi1>, vector<256x2048xi32>
    %reduce_min3A_243 = arith.constant dense<2147483647> : vector<256xi32>
    %reduce_min3A_244 = vector.multi_reduction <minsi>, %select_n3A_242, %reduce_min3A_243 [1] : vector<256x2048xi32> to vector<256xi32>
    %swap3A_245 = arith.constant 0 : index
    %swap3A_246 = arith.constant 0 : index
    %swap3A_247 = arith.constant 10 : index
    %swap3A_248 = vector.load %arg4[%swap3A_245, %swap3A_246, %swap3A_247] : memref<1x256x16xi32, #tpu.memory_space<vmem>>, vector<1x256x1xi32>
    %swap3A_249 = vector.shape_cast %swap3A_248 : vector<1x256x1xi32> to vector<256xi32>
    %swap3A_250 = vector.shape_cast %reduce_min3A_244 : vector<256xi32> to vector<1x256x1xi32>
    tpu.vector_store %arg4[%swap3A_245, %swap3A_246, %swap3A_247], %swap3A_250 {strides = array<i32>} : memref<1x256x16xi32, #tpu.memory_space<vmem>>, vector<1x256x1xi32>,
    %broadcast_in_dim3A_251 = vector.shape_cast %reduce_min3A_244 : vector<256xi32> to vector<256x1xi32>
    %eq3A_252 = vector.broadcast %broadcast_in_dim3A_251 : vector<256x1xi32> to vector<256x2048xi32>
    %eq3A_253 = arith.cmpi eq, %iota3A, %eq3A_252 : vector<256x2048xi32>
    %jit3A_254 = arith.constant 1.000000e+30 : f32
    %broadcast_in_dim3A_255 = vector.broadcast %jit3A_254 : f32 to vector<256x2048xf32>
    %select_n3A_256 = arith.select %eq3A_253, %broadcast_in_dim3A_255, %select_n3A_234 : vector<256x2048xi1>, vector<256x2048xf32>
    %reduce_min3A_257 = arith.constant dense<0x7F800000> : vector<256xf32>
    %reduce_min3A_258 = vector.multi_reduction <minimumf>, %select_n3A_256, %reduce_min3A_257 [1] : vector<256x2048xf32> to vector<256xf32>
    %broadcast_in_dim3A_259 = vector.shape_cast %reduce_min3A_258 : vector<256xf32> to vector<256x1xf32>
    %le3A_260 = vector.broadcast %broadcast_in_dim3A_259 : vector<256x1xf32> to vector<256x2048xf32>
    %le3A_261 = arith.cmpf ole, %select_n3A_256, %le3A_260 : vector<256x2048xf32>
    %jit3A_262 = arith.constant 2048 : i32
    %broadcast_in_dim3A_263 = vector.broadcast %jit3A_262 : i32 to vector<256x2048xi32>
    %select_n3A_264 = arith.select %le3A_261, %iota3A, %broadcast_in_dim3A_263 : vector<256x2048xi1>, vector<256x2048xi32>
    %reduce_min3A_265 = arith.constant dense<2147483647> : vector<256xi32>
    %reduce_min3A_266 = vector.multi_reduction <minsi>, %select_n3A_264, %reduce_min3A_265 [1] : vector<256x2048xi32> to vector<256xi32>
    %swap3A_267 = arith.constant 0 : index
    %swap3A_268 = arith.constant 0 : index
    %swap3A_269 = arith.constant 11 : index
    %swap3A_270 = vector.load %arg4[%swap3A_267, %swap3A_268, %swap3A_269] : memref<1x256x16xi32, #tpu.memory_space<vmem>>, vector<1x256x1xi32>
    %swap3A_271 = vector.shape_cast %swap3A_270 : vector<1x256x1xi32> to vector<256xi32>
    %swap3A_272 = vector.shape_cast %reduce_min3A_266 : vector<256xi32> to vector<1x256x1xi32>
    tpu.vector_store %arg4[%swap3A_267, %swap3A_268, %swap3A_269], %swap3A_272 {strides = array<i32>} : memref<1x256x16xi32, #tpu.memory_space<vmem>>, vector<1x256x1xi32>,
    %broadcast_in_dim3A_273 = vector.shape_cast %reduce_min3A_266 : vector<256xi32> to vector<256x1xi32>
    %eq3A_274 = vector.broadcast %broadcast_in_dim3A_273 : vector<256x1xi32> to vector<256x2048xi32>
    %eq3A_275 = arith.cmpi eq, %iota3A, %eq3A_274 : vector<256x2048xi32>
    %jit3A_276 = arith.constant 1.000000e+30 : f32
    %broadcast_in_dim3A_277 = vector.broadcast %jit3A_276 : f32 to vector<256x2048xf32>
    %select_n3A_278 = arith.select %eq3A_275, %broadcast_in_dim3A_277, %select_n3A_256 : vector<256x2048xi1>, vector<256x2048xf32>
    %reduce_min3A_279 = arith.constant dense<0x7F800000> : vector<256xf32>
    %reduce_min3A_280 = vector.multi_reduction <minimumf>, %select_n3A_278, %reduce_min3A_279 [1] : vector<256x2048xf32> to vector<256xf32>
    %broadcast_in_dim3A_281 = vector.shape_cast %reduce_min3A_280 : vector<256xf32> to vector<256x1xf32>
    %le3A_282 = vector.broadcast %broadcast_in_dim3A_281 : vector<256x1xf32> to vector<256x2048xf32>
    %le3A_283 = arith.cmpf ole, %select_n3A_278, %le3A_282 : vector<256x2048xf32>
    %jit3A_284 = arith.constant 2048 : i32
    %broadcast_in_dim3A_285 = vector.broadcast %jit3A_284 : i32 to vector<256x2048xi32>
    %select_n3A_286 = arith.select %le3A_283, %iota3A, %broadcast_in_dim3A_285 : vector<256x2048xi1>, vector<256x2048xi32>
    %reduce_min3A_287 = arith.constant dense<2147483647> : vector<256xi32>
    %reduce_min3A_288 = vector.multi_reduction <minsi>, %select_n3A_286, %reduce_min3A_287 [1] : vector<256x2048xi32> to vector<256xi32>
    %swap3A_289 = arith.constant 0 : index
    %swap3A_290 = arith.constant 0 : index
    %swap3A_291 = arith.constant 12 : index
    %swap3A_292 = vector.load %arg4[%swap3A_289, %swap3A_290, %swap3A_291] : memref<1x256x16xi32, #tpu.memory_space<vmem>>, vector<1x256x1xi32>
    %swap3A_293 = vector.shape_cast %swap3A_292 : vector<1x256x1xi32> to vector<256xi32>
    %swap3A_294 = vector.shape_cast %reduce_min3A_288 : vector<256xi32> to vector<1x256x1xi32>
    tpu.vector_store %arg4[%swap3A_289, %swap3A_290, %swap3A_291], %swap3A_294 {strides = array<i32>} : memref<1x256x16xi32, #tpu.memory_space<vmem>>, vector<1x256x1xi32>,
    %broadcast_in_dim3A_295 = vector.shape_cast %reduce_min3A_288 : vector<256xi32> to vector<256x1xi32>
    %eq3A_296 = vector.broadcast %broadcast_in_dim3A_295 : vector<256x1xi32> to vector<256x2048xi32>
    %eq3A_297 = arith.cmpi eq, %iota3A, %eq3A_296 : vector<256x2048xi32>
    %jit3A_298 = arith.constant 1.000000e+30 : f32
    %broadcast_in_dim3A_299 = vector.broadcast %jit3A_298 : f32 to vector<256x2048xf32>
    %select_n3A_300 = arith.select %eq3A_297, %broadcast_in_dim3A_299, %select_n3A_278 : vector<256x2048xi1>, vector<256x2048xf32>
    %reduce_min3A_301 = arith.constant dense<0x7F800000> : vector<256xf32>
    %reduce_min3A_302 = vector.multi_reduction <minimumf>, %select_n3A_300, %reduce_min3A_301 [1] : vector<256x2048xf32> to vector<256xf32>
    %broadcast_in_dim3A_303 = vector.shape_cast %reduce_min3A_302 : vector<256xf32> to vector<256x1xf32>
    %le3A_304 = vector.broadcast %broadcast_in_dim3A_303 : vector<256x1xf32> to vector<256x2048xf32>
    %le3A_305 = arith.cmpf ole, %select_n3A_300, %le3A_304 : vector<256x2048xf32>
    %jit3A_306 = arith.constant 2048 : i32
    %broadcast_in_dim3A_307 = vector.broadcast %jit3A_306 : i32 to vector<256x2048xi32>
    %select_n3A_308 = arith.select %le3A_305, %iota3A, %broadcast_in_dim3A_307 : vector<256x2048xi1>, vector<256x2048xi32>
    %reduce_min3A_309 = arith.constant dense<2147483647> : vector<256xi32>
    %reduce_min3A_310 = vector.multi_reduction <minsi>, %select_n3A_308, %reduce_min3A_309 [1] : vector<256x2048xi32> to vector<256xi32>
    %swap3A_311 = arith.constant 0 : index
    %swap3A_312 = arith.constant 0 : index
    %swap3A_313 = arith.constant 13 : index
    %swap3A_314 = vector.load %arg4[%swap3A_311, %swap3A_312, %swap3A_313] : memref<1x256x16xi32, #tpu.memory_space<vmem>>, vector<1x256x1xi32>
    %swap3A_315 = vector.shape_cast %swap3A_314 : vector<1x256x1xi32> to vector<256xi32>
    %swap3A_316 = vector.shape_cast %reduce_min3A_310 : vector<256xi32> to vector<1x256x1xi32>
    tpu.vector_store %arg4[%swap3A_311, %swap3A_312, %swap3A_313], %swap3A_316 {strides = array<i32>} : memref<1x256x16xi32, #tpu.memory_space<vmem>>, vector<1x256x1xi32>,
    %broadcast_in_dim3A_317 = vector.shape_cast %reduce_min3A_310 : vector<256xi32> to vector<256x1xi32>
    %eq3A_318 = vector.broadcast %broadcast_in_dim3A_317 : vector<256x1xi32> to vector<256x2048xi32>
    %eq3A_319 = arith.cmpi eq, %iota3A, %eq3A_318 : vector<256x2048xi32>
    %jit3A_320 = arith.constant 1.000000e+30 : f32
    %broadcast_in_dim3A_321 = vector.broadcast %jit3A_320 : f32 to vector<256x2048xf32>
    %select_n3A_322 = arith.select %eq3A_319, %broadcast_in_dim3A_321, %select_n3A_300 : vector<256x2048xi1>, vector<256x2048xf32>
    %reduce_min3A_323 = arith.constant dense<0x7F800000> : vector<256xf32>
    %reduce_min3A_324 = vector.multi_reduction <minimumf>, %select_n3A_322, %reduce_min3A_323 [1] : vector<256x2048xf32> to vector<256xf32>
    %broadcast_in_dim3A_325 = vector.shape_cast %reduce_min3A_324 : vector<256xf32> to vector<256x1xf32>
    %le3A_326 = vector.broadcast %broadcast_in_dim3A_325 : vector<256x1xf32> to vector<256x2048xf32>
    %le3A_327 = arith.cmpf ole, %select_n3A_322, %le3A_326 : vector<256x2048xf32>
    %jit3A_328 = arith.constant 2048 : i32
    %broadcast_in_dim3A_329 = vector.broadcast %jit3A_328 : i32 to vector<256x2048xi32>
    %select_n3A_330 = arith.select %le3A_327, %iota3A, %broadcast_in_dim3A_329 : vector<256x2048xi1>, vector<256x2048xi32>
    %reduce_min3A_331 = arith.constant dense<2147483647> : vector<256xi32>
    %reduce_min3A_332 = vector.multi_reduction <minsi>, %select_n3A_330, %reduce_min3A_331 [1] : vector<256x2048xi32> to vector<256xi32>
    %swap3A_333 = arith.constant 0 : index
    %swap3A_334 = arith.constant 0 : index
    %swap3A_335 = arith.constant 14 : index
    %swap3A_336 = vector.load %arg4[%swap3A_333, %swap3A_334, %swap3A_335] : memref<1x256x16xi32, #tpu.memory_space<vmem>>, vector<1x256x1xi32>
    %swap3A_337 = vector.shape_cast %swap3A_336 : vector<1x256x1xi32> to vector<256xi32>
    %swap3A_338 = vector.shape_cast %reduce_min3A_332 : vector<256xi32> to vector<1x256x1xi32>
    tpu.vector_store %arg4[%swap3A_333, %swap3A_334, %swap3A_335], %swap3A_338 {strides = array<i32>} : memref<1x256x16xi32, #tpu.memory_space<vmem>>, vector<1x256x1xi32>,
    %broadcast_in_dim3A_339 = vector.shape_cast %reduce_min3A_332 : vector<256xi32> to vector<256x1xi32>
    %eq3A_340 = vector.broadcast %broadcast_in_dim3A_339 : vector<256x1xi32> to vector<256x2048xi32>
    %eq3A_341 = arith.cmpi eq, %iota3A, %eq3A_340 : vector<256x2048xi32>
    %jit3A_342 = arith.constant 1.000000e+30 : f32
    %broadcast_in_dim3A_343 = vector.broadcast %jit3A_342 : f32 to vector<256x2048xf32>
    %select_n3A_344 = arith.select %eq3A_341, %broadcast_in_dim3A_343, %select_n3A_322 : vector<256x2048xi1>, vector<256x2048xf32>
    %reduce_min3A_345 = arith.constant dense<0x7F800000> : vector<256xf32>
    %reduce_min3A_346 = vector.multi_reduction <minimumf>, %select_n3A_344, %reduce_min3A_345 [1] : vector<256x2048xf32> to vector<256xf32>
    %broadcast_in_dim3A_347 = vector.shape_cast %reduce_min3A_346 : vector<256xf32> to vector<256x1xf32>
    %le3A_348 = vector.broadcast %broadcast_in_dim3A_347 : vector<256x1xf32> to vector<256x2048xf32>
    %le3A_349 = arith.cmpf ole, %select_n3A_344, %le3A_348 : vector<256x2048xf32>
    %jit3A_350 = arith.constant 2048 : i32
    %broadcast_in_dim3A_351 = vector.broadcast %jit3A_350 : i32 to vector<256x2048xi32>
    %select_n3A_352 = arith.select %le3A_349, %iota3A, %broadcast_in_dim3A_351 : vector<256x2048xi1>, vector<256x2048xi32>
    %reduce_min3A_353 = arith.constant dense<2147483647> : vector<256xi32>
    %reduce_min3A_354 = vector.multi_reduction <minsi>, %select_n3A_352, %reduce_min3A_353 [1] : vector<256x2048xi32> to vector<256xi32>
    %swap3A_355 = arith.constant 0 : index
    %swap3A_356 = arith.constant 0 : index
    %swap3A_357 = arith.constant 15 : index
    %swap3A_358 = vector.load %arg4[%swap3A_355, %swap3A_356, %swap3A_357] : memref<1x256x16xi32, #tpu.memory_space<vmem>>, vector<1x256x1xi32>
    %swap3A_359 = vector.shape_cast %swap3A_358 : vector<1x256x1xi32> to vector<256xi32>
    %swap3A_360 = vector.shape_cast %reduce_min3A_354 : vector<256xi32> to vector<1x256x1xi32>
    tpu.vector_store %arg4[%swap3A_355, %swap3A_356, %swap3A_357], %swap3A_360 {strides = array<i32>} : memref<1x256x16xi32, #tpu.memory_space<vmem>>, vector<1x256x1xi32>,
    return
  }
  func.func @transform_0(%arg0: i32, %arg1: i32) -> (i32, i32, i32) {
    %c0_i32 = arith.constant 0 : i32
    %c0_i32_0 = arith.constant 0 : i32
    return %arg0, %arg1, %c0_i32 : i32, i32, i32
  }
  func.func @transform_1(%arg0: i32, %arg1: i32) -> (i32, i32, i32) {
    %c0_i32 = arith.constant 0 : i32
    %c0_i32_0 = arith.constant 0 : i32
    %c0_i32_1 = arith.constant 0 : i32
    return %arg0, %c0_i32, %c0_i32_0 : i32, i32, i32
  }
  func.func @transform_2(%arg0: i32, %arg1: i32) -> (i32, i32, i32) {
    %c0_i32 = arith.constant 0 : i32
    %c0_i32_0 = arith.constant 0 : i32
    return %arg0, %arg1, %c0_i32 : i32, i32, i32
  }
}

module attributes {stable_mosaic.version = 14 : i64} {
  func.func @_mm_kernel(%arg0: i32, %arg1: i32, %arg2: memref<32x16xf32, #tpu.memory_space<vmem>>, %arg3: memref<1x16x4096xf32, #tpu.memory_space<vmem>>, %arg4: memref<1x32x4096xf32, #tpu.memory_space<vmem>>) attributes {dimension_semantics = [#tpu.dimension_semantics<arbitrary>, #tpu.dimension_semantics<arbitrary>], iteration_bounds = array<i64: 8, 8>, scalar_prefetch = 0 : i64, scratch_operands = 0 : i64, tpu.core_type = #tpu.core_type<tc>, window_params = [{pipeline_mode = #tpu.pipeline_mode<synchronous>, transform_indices = @transform_0, window_bounds = array<i64: 32, 16>}, {transform_indices = @transform_1, window_bounds = array<i64: 1, 16, 4096>}, {transform_indices = @transform_2, window_bounds = array<i64: 1, 32, 4096>}]} {
    %get3A = arith.constant 0 : index
    %get3A_0 = arith.constant 0 : index
    %get3A_1 = vector.load %arg2[%get3A, %get3A_0] : memref<32x16xf32, #tpu.memory_space<vmem>>, vector<32x16xf32>
    %get3A_2 = arith.constant 0 : index
    %get3A_3 = arith.constant 0 : index
    %get3A_4 = arith.constant 0 : index
    %get3A_5 = vector.load %arg3[%get3A_2, %get3A_3, %get3A_4] : memref<1x16x4096xf32, #tpu.memory_space<vmem>>, vector<1x16x4096xf32>
    %get3A_6 = vector.shape_cast %get3A_5 : vector<1x16x4096xf32> to vector<16x4096xf32>
    %dot_general3A = arith.constant dense<0.000000e+00> : vector<32x4096xf32>
    %dot_general3A_7 = tpu.matmul %get3A_1, %get3A_6, %dot_general3A {dimension_numbers = #tpu.dot_dimension_numbers<[1], [0], [0], [1], [0, 0, 1, 1], [], []>, transpose_lhs_hint = false} : vector<32x16xf32>, vector<16x4096xf32>, vector<32x4096xf32> -> vector<32x4096xf32>
    %swap3A = arith.constant 0 : index
    %swap3A_8 = arith.constant 0 : index
    %swap3A_9 = arith.constant 0 : index
    %swap3A_10 = vector.load %arg4[%swap3A, %swap3A_8, %swap3A_9] : memref<1x32x4096xf32, #tpu.memory_space<vmem>>, vector<1x32x4096xf32>
    %swap3A_11 = vector.shape_cast %swap3A_10 : vector<1x32x4096xf32> to vector<32x4096xf32>
    %swap3A_12 = vector.shape_cast %dot_general3A_7 : vector<32x4096xf32> to vector<1x32x4096xf32>
    tpu.vector_store %arg4[%swap3A, %swap3A_8, %swap3A_9], %swap3A_12 {strides = array<i32>} : memref<1x32x4096xf32, #tpu.memory_space<vmem>>, vector<1x32x4096xf32>,
    return
  }
  func.func @transform_0(%arg0: i32, %arg1: i32) -> (i32, i32) {
    %c0_i32 = arith.constant 0 : i32
    %c0_i32_0 = arith.constant 0 : i32
    %c0_i32_1 = arith.constant 0 : i32
    return %c0_i32, %c0_i32_0 : i32, i32
  }
  func.func @transform_1(%arg0: i32, %arg1: i32) -> (i32, i32, i32) {
    %c0_i32 = arith.constant 0 : i32
    %c0_i32_0 = arith.constant 0 : i32
    return %arg0, %c0_i32, %arg1 : i32, i32, i32
  }
  func.func @transform_2(%arg0: i32, %arg1: i32) -> (i32, i32, i32) {
    %c0_i32 = arith.constant 0 : i32
    %c0_i32_0 = arith.constant 0 : i32
    return %arg0, %c0_i32, %arg1 : i32, i32, i32
  }
}

module attributes {stable_mosaic.version = 14 : i64} {
  func.func @_knn_kernel(%arg0: i32, %arg1: i32, %arg2: memref<1x256x8xf32, #tpu.memory_space<vmem>>, %arg3: memref<1x2048x8xf32, #tpu.memory_space<vmem>>, %arg4: memref<1x256x16xi32, #tpu.memory_space<vmem>>) attributes {dimension_semantics = [#tpu.dimension_semantics<arbitrary>, #tpu.dimension_semantics<arbitrary>], iteration_bounds = array<i64: 8, 4>, scalar_prefetch = 0 : i64, scratch_operands = 0 : i64, tpu.core_type = #tpu.core_type<tc>, window_params = [{transform_indices = @transform_0, window_bounds = array<i64: 1, 256, 8>}, {transform_indices = @transform_1, window_bounds = array<i64: 1, 2048, 8>}, {transform_indices = @transform_2, window_bounds = array<i64: 1, 256, 16>}]} {
    %get3A = arith.constant 0 : index
    %get3A_0 = arith.constant 0 : index
    %get3A_1 = arith.constant 0 : index
    %get3A_2 = vector.load %arg2[%get3A, %get3A_0, %get3A_1] : memref<1x256x8xf32, #tpu.memory_space<vmem>>, vector<1x256x8xf32>
    %get3A_3 = vector.shape_cast %get3A_2 : vector<1x256x8xf32> to vector<256x8xf32>
    %get3A_4 = arith.constant 0 : index
    %get3A_5 = arith.constant 0 : index
    %get3A_6 = arith.constant 0 : index
    %get3A_7 = vector.load %arg3[%get3A_4, %get3A_5, %get3A_6] : memref<1x2048x8xf32, #tpu.memory_space<vmem>>, vector<1x2048x8xf32>
    %get3A_8 = vector.shape_cast %get3A_7 : vector<1x2048x8xf32> to vector<2048x8xf32>
    %transpose3A = tpu.transpose %get3A_8, [1, 0] : vector<2048x8xf32> -> vector<8x2048xf32>
    %dot_general3A = arith.constant dense<0.000000e+00> : vector<256x2048xf32>
    %dot_general3A_9 = tpu.matmul %get3A_3, %transpose3A, %dot_general3A {dimension_numbers = #tpu.dot_dimension_numbers<[1], [0], [0], [1], [0, 0, 1, 1], [], []>, transpose_lhs_hint = false} : vector<256x8xf32>, vector<8x2048xf32>, vector<256x2048xf32> -> vector<256x2048xf32>
    %mul3A = arith.mulf %get3A_3, %get3A_3 : vector<256x8xf32>
    %reduce_sum3A = arith.constant dense<0.000000e+00> : vector<256xf32>
    %reduce_sum3A_10 = vector.multi_reduction <add>, %mul3A, %reduce_sum3A [1] : vector<256x8xf32> to vector<256xf32>
    %broadcast_in_dim3A = vector.shape_cast %reduce_sum3A_10 : vector<256xf32> to vector<256x1xf32>
    %mul3A_11 = arith.mulf %get3A_8, %get3A_8 : vector<2048x8xf32>
    %reduce_sum3A_12 = arith.constant dense<0.000000e+00> : vector<2048xf32>
    %reduce_sum3A_13 = vector.multi_reduction <add>, %mul3A_11, %reduce_sum3A_12 [1] : vector<2048x8xf32> to vector<2048xf32>
    %broadcast_in_dim3A_14 = vector.shape_cast %reduce_sum3A_13 : vector<2048xf32> to vector<2048x1xf32>
    %mul3A_15 = arith.constant 2.000000e+00 : f32
    %mul3A_16 = vector.broadcast %mul3A_15 : f32 to vector<256x2048xf32>
    %mul3A_17 = arith.mulf %mul3A_16, %dot_general3A_9 : vector<256x2048xf32>
    %sub3A = vector.broadcast %broadcast_in_dim3A : vector<256x1xf32> to vector<256x2048xf32>
    %sub3A_18 = arith.subf %sub3A, %mul3A_17 : vector<256x2048xf32>
    %transpose3A_19 = tpu.transpose %broadcast_in_dim3A_14, [1, 0] : vector<2048x1xf32> -> vector<1x2048xf32>
    %add3A = vector.broadcast %transpose3A_19 : vector<1x2048xf32> to vector<256x2048xf32>
    %add3A_20 = arith.addf %sub3A_18, %add3A : vector<256x2048xf32>
    %iota3A = tpu.iota {dimensions = array<i32: 1>} : vector<256x2048xi32>
    %reduce_min3A = arith.constant dense<0x7F800000> : vector<256xf32>
    %reduce_min3A_21 = vector.multi_reduction <minimumf>, %add3A_20, %reduce_min3A [1] : vector<256x2048xf32> to vector<256xf32>
    %broadcast_in_dim3A_22 = vector.shape_cast %reduce_min3A_21 : vector<256xf32> to vector<256x1xf32>
    %le3A = vector.broadcast %broadcast_in_dim3A_22 : vector<256x1xf32> to vector<256x2048xf32>
    %le3A_23 = arith.cmpf ole, %add3A_20, %le3A : vector<256x2048xf32>
    %jit3A = arith.constant 2048 : i32
    %broadcast_in_dim3A_24 = vector.broadcast %jit3A : i32 to vector<256x2048xi32>
    %select_n3A = arith.select %le3A_23, %iota3A, %broadcast_in_dim3A_24 : vector<256x2048xi1>, vector<256x2048xi32>
    %reduce_min3A_25 = arith.constant dense<2147483647> : vector<256xi32>
    %reduce_min3A_26 = vector.multi_reduction <minsi>, %select_n3A, %reduce_min3A_25 [1] : vector<256x2048xi32> to vector<256xi32>
    %swap3A = arith.constant 0 : index
    %swap3A_27 = arith.constant 0 : index
    %swap3A_28 = arith.constant 0 : index
    %swap3A_29 = vector.load %arg4[%swap3A, %swap3A_27, %swap3A_28] : memref<1x256x16xi32, #tpu.memory_space<vmem>>, vector<1x256x1xi32>
    %swap3A_30 = vector.shape_cast %swap3A_29 : vector<1x256x1xi32> to vector<256xi32>
    %swap3A_31 = vector.shape_cast %reduce_min3A_26 : vector<256xi32> to vector<1x256x1xi32>
    tpu.vector_store %arg4[%swap3A, %swap3A_27, %swap3A_28], %swap3A_31 {strides = array<i32>} : memref<1x256x16xi32, #tpu.memory_space<vmem>>, vector<1x256x1xi32>,
    %broadcast_in_dim3A_32 = vector.shape_cast %reduce_min3A_26 : vector<256xi32> to vector<256x1xi32>
    %eq3A = vector.broadcast %broadcast_in_dim3A_32 : vector<256x1xi32> to vector<256x2048xi32>
    %eq3A_33 = arith.cmpi eq, %iota3A, %eq3A : vector<256x2048xi32>
    %jit3A_34 = arith.constant 1.000000e+30 : f32
    %broadcast_in_dim3A_35 = vector.broadcast %jit3A_34 : f32 to vector<256x2048xf32>
    %select_n3A_36 = arith.select %eq3A_33, %broadcast_in_dim3A_35, %add3A_20 : vector<256x2048xi1>, vector<256x2048xf32>
    %reduce_min3A_37 = arith.constant dense<0x7F800000> : vector<256xf32>
    %reduce_min3A_38 = vector.multi_reduction <minimumf>, %select_n3A_36, %reduce_min3A_37 [1] : vector<256x2048xf32> to vector<256xf32>
    %broadcast_in_dim3A_39 = vector.shape_cast %reduce_min3A_38 : vector<256xf32> to vector<256x1xf32>
    %le3A_40 = vector.broadcast %broadcast_in_dim3A_39 : vector<256x1xf32> to vector<256x2048xf32>
    %le3A_41 = arith.cmpf ole, %select_n3A_36, %le3A_40 : vector<256x2048xf32>
    %jit3A_42 = arith.constant 2048 : i32
    %broadcast_in_dim3A_43 = vector.broadcast %jit3A_42 : i32 to vector<256x2048xi32>
    %select_n3A_44 = arith.select %le3A_41, %iota3A, %broadcast_in_dim3A_43 : vector<256x2048xi1>, vector<256x2048xi32>
    %reduce_min3A_45 = arith.constant dense<2147483647> : vector<256xi32>
    %reduce_min3A_46 = vector.multi_reduction <minsi>, %select_n3A_44, %reduce_min3A_45 [1] : vector<256x2048xi32> to vector<256xi32>
    %swap3A_47 = arith.constant 0 : index
    %swap3A_48 = arith.constant 0 : index
    %swap3A_49 = arith.constant 1 : index
    %swap3A_50 = vector.load %arg4[%swap3A_47, %swap3A_48, %swap3A_49] : memref<1x256x16xi32, #tpu.memory_space<vmem>>, vector<1x256x1xi32>
    %swap3A_51 = vector.shape_cast %swap3A_50 : vector<1x256x1xi32> to vector<256xi32>
    %swap3A_52 = vector.shape_cast %reduce_min3A_46 : vector<256xi32> to vector<1x256x1xi32>
    tpu.vector_store %arg4[%swap3A_47, %swap3A_48, %swap3A_49], %swap3A_52 {strides = array<i32>} : memref<1x256x16xi32, #tpu.memory_space<vmem>>, vector<1x256x1xi32>,
    %broadcast_in_dim3A_53 = vector.shape_cast %reduce_min3A_46 : vector<256xi32> to vector<256x1xi32>
    %eq3A_54 = vector.broadcast %broadcast_in_dim3A_53 : vector<256x1xi32> to vector<256x2048xi32>
    %eq3A_55 = arith.cmpi eq, %iota3A, %eq3A_54 : vector<256x2048xi32>
    %jit3A_56 = arith.constant 1.000000e+30 : f32
    %broadcast_in_dim3A_57 = vector.broadcast %jit3A_56 : f32 to vector<256x2048xf32>
    %select_n3A_58 = arith.select %eq3A_55, %broadcast_in_dim3A_57, %select_n3A_36 : vector<256x2048xi1>, vector<256x2048xf32>
    %reduce_min3A_59 = arith.constant dense<0x7F800000> : vector<256xf32>
    %reduce_min3A_60 = vector.multi_reduction <minimumf>, %select_n3A_58, %reduce_min3A_59 [1] : vector<256x2048xf32> to vector<256xf32>
    %broadcast_in_dim3A_61 = vector.shape_cast %reduce_min3A_60 : vector<256xf32> to vector<256x1xf32>
    %le3A_62 = vector.broadcast %broadcast_in_dim3A_61 : vector<256x1xf32> to vector<256x2048xf32>
    %le3A_63 = arith.cmpf ole, %select_n3A_58, %le3A_62 : vector<256x2048xf32>
    %jit3A_64 = arith.constant 2048 : i32
    %broadcast_in_dim3A_65 = vector.broadcast %jit3A_64 : i32 to vector<256x2048xi32>
    %select_n3A_66 = arith.select %le3A_63, %iota3A, %broadcast_in_dim3A_65 : vector<256x2048xi1>, vector<256x2048xi32>
    %reduce_min3A_67 = arith.constant dense<2147483647> : vector<256xi32>
    %reduce_min3A_68 = vector.multi_reduction <minsi>, %select_n3A_66, %reduce_min3A_67 [1] : vector<256x2048xi32> to vector<256xi32>
    %swap3A_69 = arith.constant 0 : index
    %swap3A_70 = arith.constant 0 : index
    %swap3A_71 = arith.constant 2 : index
    %swap3A_72 = vector.load %arg4[%swap3A_69, %swap3A_70, %swap3A_71] : memref<1x256x16xi32, #tpu.memory_space<vmem>>, vector<1x256x1xi32>
    %swap3A_73 = vector.shape_cast %swap3A_72 : vector<1x256x1xi32> to vector<256xi32>
    %swap3A_74 = vector.shape_cast %reduce_min3A_68 : vector<256xi32> to vector<1x256x1xi32>
    tpu.vector_store %arg4[%swap3A_69, %swap3A_70, %swap3A_71], %swap3A_74 {strides = array<i32>} : memref<1x256x16xi32, #tpu.memory_space<vmem>>, vector<1x256x1xi32>,
    %broadcast_in_dim3A_75 = vector.shape_cast %reduce_min3A_68 : vector<256xi32> to vector<256x1xi32>
    %eq3A_76 = vector.broadcast %broadcast_in_dim3A_75 : vector<256x1xi32> to vector<256x2048xi32>
    %eq3A_77 = arith.cmpi eq, %iota3A, %eq3A_76 : vector<256x2048xi32>
    %jit3A_78 = arith.constant 1.000000e+30 : f32
    %broadcast_in_dim3A_79 = vector.broadcast %jit3A_78 : f32 to vector<256x2048xf32>
    %select_n3A_80 = arith.select %eq3A_77, %broadcast_in_dim3A_79, %select_n3A_58 : vector<256x2048xi1>, vector<256x2048xf32>
    %reduce_min3A_81 = arith.constant dense<0x7F800000> : vector<256xf32>
    %reduce_min3A_82 = vector.multi_reduction <minimumf>, %select_n3A_80, %reduce_min3A_81 [1] : vector<256x2048xf32> to vector<256xf32>
    %broadcast_in_dim3A_83 = vector.shape_cast %reduce_min3A_82 : vector<256xf32> to vector<256x1xf32>
    %le3A_84 = vector.broadcast %broadcast_in_dim3A_83 : vector<256x1xf32> to vector<256x2048xf32>
    %le3A_85 = arith.cmpf ole, %select_n3A_80, %le3A_84 : vector<256x2048xf32>
    %jit3A_86 = arith.constant 2048 : i32
    %broadcast_in_dim3A_87 = vector.broadcast %jit3A_86 : i32 to vector<256x2048xi32>
    %select_n3A_88 = arith.select %le3A_85, %iota3A, %broadcast_in_dim3A_87 : vector<256x2048xi1>, vector<256x2048xi32>
    %reduce_min3A_89 = arith.constant dense<2147483647> : vector<256xi32>
    %reduce_min3A_90 = vector.multi_reduction <minsi>, %select_n3A_88, %reduce_min3A_89 [1] : vector<256x2048xi32> to vector<256xi32>
    %swap3A_91 = arith.constant 0 : index
    %swap3A_92 = arith.constant 0 : index
    %swap3A_93 = arith.constant 3 : index
    %swap3A_94 = vector.load %arg4[%swap3A_91, %swap3A_92, %swap3A_93] : memref<1x256x16xi32, #tpu.memory_space<vmem>>, vector<1x256x1xi32>
    %swap3A_95 = vector.shape_cast %swap3A_94 : vector<1x256x1xi32> to vector<256xi32>
    %swap3A_96 = vector.shape_cast %reduce_min3A_90 : vector<256xi32> to vector<1x256x1xi32>
    tpu.vector_store %arg4[%swap3A_91, %swap3A_92, %swap3A_93], %swap3A_96 {strides = array<i32>} : memref<1x256x16xi32, #tpu.memory_space<vmem>>, vector<1x256x1xi32>,
    %broadcast_in_dim3A_97 = vector.shape_cast %reduce_min3A_90 : vector<256xi32> to vector<256x1xi32>
    %eq3A_98 = vector.broadcast %broadcast_in_dim3A_97 : vector<256x1xi32> to vector<256x2048xi32>
    %eq3A_99 = arith.cmpi eq, %iota3A, %eq3A_98 : vector<256x2048xi32>
    %jit3A_100 = arith.constant 1.000000e+30 : f32
    %broadcast_in_dim3A_101 = vector.broadcast %jit3A_100 : f32 to vector<256x2048xf32>
    %select_n3A_102 = arith.select %eq3A_99, %broadcast_in_dim3A_101, %select_n3A_80 : vector<256x2048xi1>, vector<256x2048xf32>
    %reduce_min3A_103 = arith.constant dense<0x7F800000> : vector<256xf32>
    %reduce_min3A_104 = vector.multi_reduction <minimumf>, %select_n3A_102, %reduce_min3A_103 [1] : vector<256x2048xf32> to vector<256xf32>
    %broadcast_in_dim3A_105 = vector.shape_cast %reduce_min3A_104 : vector<256xf32> to vector<256x1xf32>
    %le3A_106 = vector.broadcast %broadcast_in_dim3A_105 : vector<256x1xf32> to vector<256x2048xf32>
    %le3A_107 = arith.cmpf ole, %select_n3A_102, %le3A_106 : vector<256x2048xf32>
    %jit3A_108 = arith.constant 2048 : i32
    %broadcast_in_dim3A_109 = vector.broadcast %jit3A_108 : i32 to vector<256x2048xi32>
    %select_n3A_110 = arith.select %le3A_107, %iota3A, %broadcast_in_dim3A_109 : vector<256x2048xi1>, vector<256x2048xi32>
    %reduce_min3A_111 = arith.constant dense<2147483647> : vector<256xi32>
    %reduce_min3A_112 = vector.multi_reduction <minsi>, %select_n3A_110, %reduce_min3A_111 [1] : vector<256x2048xi32> to vector<256xi32>
    %swap3A_113 = arith.constant 0 : index
    %swap3A_114 = arith.constant 0 : index
    %swap3A_115 = arith.constant 4 : index
    %swap3A_116 = vector.load %arg4[%swap3A_113, %swap3A_114, %swap3A_115] : memref<1x256x16xi32, #tpu.memory_space<vmem>>, vector<1x256x1xi32>
    %swap3A_117 = vector.shape_cast %swap3A_116 : vector<1x256x1xi32> to vector<256xi32>
    %swap3A_118 = vector.shape_cast %reduce_min3A_112 : vector<256xi32> to vector<1x256x1xi32>
    tpu.vector_store %arg4[%swap3A_113, %swap3A_114, %swap3A_115], %swap3A_118 {strides = array<i32>} : memref<1x256x16xi32, #tpu.memory_space<vmem>>, vector<1x256x1xi32>,
    %broadcast_in_dim3A_119 = vector.shape_cast %reduce_min3A_112 : vector<256xi32> to vector<256x1xi32>
    %eq3A_120 = vector.broadcast %broadcast_in_dim3A_119 : vector<256x1xi32> to vector<256x2048xi32>
    %eq3A_121 = arith.cmpi eq, %iota3A, %eq3A_120 : vector<256x2048xi32>
    %jit3A_122 = arith.constant 1.000000e+30 : f32
    %broadcast_in_dim3A_123 = vector.broadcast %jit3A_122 : f32 to vector<256x2048xf32>
    %select_n3A_124 = arith.select %eq3A_121, %broadcast_in_dim3A_123, %select_n3A_102 : vector<256x2048xi1>, vector<256x2048xf32>
    %reduce_min3A_125 = arith.constant dense<0x7F800000> : vector<256xf32>
    %reduce_min3A_126 = vector.multi_reduction <minimumf>, %select_n3A_124, %reduce_min3A_125 [1] : vector<256x2048xf32> to vector<256xf32>
    %broadcast_in_dim3A_127 = vector.shape_cast %reduce_min3A_126 : vector<256xf32> to vector<256x1xf32>
    %le3A_128 = vector.broadcast %broadcast_in_dim3A_127 : vector<256x1xf32> to vector<256x2048xf32>
    %le3A_129 = arith.cmpf ole, %select_n3A_124, %le3A_128 : vector<256x2048xf32>
    %jit3A_130 = arith.constant 2048 : i32
    %broadcast_in_dim3A_131 = vector.broadcast %jit3A_130 : i32 to vector<256x2048xi32>
    %select_n3A_132 = arith.select %le3A_129, %iota3A, %broadcast_in_dim3A_131 : vector<256x2048xi1>, vector<256x2048xi32>
    %reduce_min3A_133 = arith.constant dense<2147483647> : vector<256xi32>
    %reduce_min3A_134 = vector.multi_reduction <minsi>, %select_n3A_132, %reduce_min3A_133 [1] : vector<256x2048xi32> to vector<256xi32>
    %swap3A_135 = arith.constant 0 : index
    %swap3A_136 = arith.constant 0 : index
    %swap3A_137 = arith.constant 5 : index
    %swap3A_138 = vector.load %arg4[%swap3A_135, %swap3A_136, %swap3A_137] : memref<1x256x16xi32, #tpu.memory_space<vmem>>, vector<1x256x1xi32>
    %swap3A_139 = vector.shape_cast %swap3A_138 : vector<1x256x1xi32> to vector<256xi32>
    %swap3A_140 = vector.shape_cast %reduce_min3A_134 : vector<256xi32> to vector<1x256x1xi32>
    tpu.vector_store %arg4[%swap3A_135, %swap3A_136, %swap3A_137], %swap3A_140 {strides = array<i32>} : memref<1x256x16xi32, #tpu.memory_space<vmem>>, vector<1x256x1xi32>,
    %broadcast_in_dim3A_141 = vector.shape_cast %reduce_min3A_134 : vector<256xi32> to vector<256x1xi32>
    %eq3A_142 = vector.broadcast %broadcast_in_dim3A_141 : vector<256x1xi32> to vector<256x2048xi32>
    %eq3A_143 = arith.cmpi eq, %iota3A, %eq3A_142 : vector<256x2048xi32>
    %jit3A_144 = arith.constant 1.000000e+30 : f32
    %broadcast_in_dim3A_145 = vector.broadcast %jit3A_144 : f32 to vector<256x2048xf32>
    %select_n3A_146 = arith.select %eq3A_143, %broadcast_in_dim3A_145, %select_n3A_124 : vector<256x2048xi1>, vector<256x2048xf32>
    %reduce_min3A_147 = arith.constant dense<0x7F800000> : vector<256xf32>
    %reduce_min3A_148 = vector.multi_reduction <minimumf>, %select_n3A_146, %reduce_min3A_147 [1] : vector<256x2048xf32> to vector<256xf32>
    %broadcast_in_dim3A_149 = vector.shape_cast %reduce_min3A_148 : vector<256xf32> to vector<256x1xf32>
    %le3A_150 = vector.broadcast %broadcast_in_dim3A_149 : vector<256x1xf32> to vector<256x2048xf32>
    %le3A_151 = arith.cmpf ole, %select_n3A_146, %le3A_150 : vector<256x2048xf32>
    %jit3A_152 = arith.constant 2048 : i32
    %broadcast_in_dim3A_153 = vector.broadcast %jit3A_152 : i32 to vector<256x2048xi32>
    %select_n3A_154 = arith.select %le3A_151, %iota3A, %broadcast_in_dim3A_153 : vector<256x2048xi1>, vector<256x2048xi32>
    %reduce_min3A_155 = arith.constant dense<2147483647> : vector<256xi32>
    %reduce_min3A_156 = vector.multi_reduction <minsi>, %select_n3A_154, %reduce_min3A_155 [1] : vector<256x2048xi32> to vector<256xi32>
    %swap3A_157 = arith.constant 0 : index
    %swap3A_158 = arith.constant 0 : index
    %swap3A_159 = arith.constant 6 : index
    %swap3A_160 = vector.load %arg4[%swap3A_157, %swap3A_158, %swap3A_159] : memref<1x256x16xi32, #tpu.memory_space<vmem>>, vector<1x256x1xi32>
    %swap3A_161 = vector.shape_cast %swap3A_160 : vector<1x256x1xi32> to vector<256xi32>
    %swap3A_162 = vector.shape_cast %reduce_min3A_156 : vector<256xi32> to vector<1x256x1xi32>
    tpu.vector_store %arg4[%swap3A_157, %swap3A_158, %swap3A_159], %swap3A_162 {strides = array<i32>} : memref<1x256x16xi32, #tpu.memory_space<vmem>>, vector<1x256x1xi32>,
    %broadcast_in_dim3A_163 = vector.shape_cast %reduce_min3A_156 : vector<256xi32> to vector<256x1xi32>
    %eq3A_164 = vector.broadcast %broadcast_in_dim3A_163 : vector<256x1xi32> to vector<256x2048xi32>
    %eq3A_165 = arith.cmpi eq, %iota3A, %eq3A_164 : vector<256x2048xi32>
    %jit3A_166 = arith.constant 1.000000e+30 : f32
    %broadcast_in_dim3A_167 = vector.broadcast %jit3A_166 : f32 to vector<256x2048xf32>
    %select_n3A_168 = arith.select %eq3A_165, %broadcast_in_dim3A_167, %select_n3A_146 : vector<256x2048xi1>, vector<256x2048xf32>
    %reduce_min3A_169 = arith.constant dense<0x7F800000> : vector<256xf32>
    %reduce_min3A_170 = vector.multi_reduction <minimumf>, %select_n3A_168, %reduce_min3A_169 [1] : vector<256x2048xf32> to vector<256xf32>
    %broadcast_in_dim3A_171 = vector.shape_cast %reduce_min3A_170 : vector<256xf32> to vector<256x1xf32>
    %le3A_172 = vector.broadcast %broadcast_in_dim3A_171 : vector<256x1xf32> to vector<256x2048xf32>
    %le3A_173 = arith.cmpf ole, %select_n3A_168, %le3A_172 : vector<256x2048xf32>
    %jit3A_174 = arith.constant 2048 : i32
    %broadcast_in_dim3A_175 = vector.broadcast %jit3A_174 : i32 to vector<256x2048xi32>
    %select_n3A_176 = arith.select %le3A_173, %iota3A, %broadcast_in_dim3A_175 : vector<256x2048xi1>, vector<256x2048xi32>
    %reduce_min3A_177 = arith.constant dense<2147483647> : vector<256xi32>
    %reduce_min3A_178 = vector.multi_reduction <minsi>, %select_n3A_176, %reduce_min3A_177 [1] : vector<256x2048xi32> to vector<256xi32>
    %swap3A_179 = arith.constant 0 : index
    %swap3A_180 = arith.constant 0 : index
    %swap3A_181 = arith.constant 7 : index
    %swap3A_182 = vector.load %arg4[%swap3A_179, %swap3A_180, %swap3A_181] : memref<1x256x16xi32, #tpu.memory_space<vmem>>, vector<1x256x1xi32>
    %swap3A_183 = vector.shape_cast %swap3A_182 : vector<1x256x1xi32> to vector<256xi32>
    %swap3A_184 = vector.shape_cast %reduce_min3A_178 : vector<256xi32> to vector<1x256x1xi32>
    tpu.vector_store %arg4[%swap3A_179, %swap3A_180, %swap3A_181], %swap3A_184 {strides = array<i32>} : memref<1x256x16xi32, #tpu.memory_space<vmem>>, vector<1x256x1xi32>,
    %broadcast_in_dim3A_185 = vector.shape_cast %reduce_min3A_178 : vector<256xi32> to vector<256x1xi32>
    %eq3A_186 = vector.broadcast %broadcast_in_dim3A_185 : vector<256x1xi32> to vector<256x2048xi32>
    %eq3A_187 = arith.cmpi eq, %iota3A, %eq3A_186 : vector<256x2048xi32>
    %jit3A_188 = arith.constant 1.000000e+30 : f32
    %broadcast_in_dim3A_189 = vector.broadcast %jit3A_188 : f32 to vector<256x2048xf32>
    %select_n3A_190 = arith.select %eq3A_187, %broadcast_in_dim3A_189, %select_n3A_168 : vector<256x2048xi1>, vector<256x2048xf32>
    %reduce_min3A_191 = arith.constant dense<0x7F800000> : vector<256xf32>
    %reduce_min3A_192 = vector.multi_reduction <minimumf>, %select_n3A_190, %reduce_min3A_191 [1] : vector<256x2048xf32> to vector<256xf32>
    %broadcast_in_dim3A_193 = vector.shape_cast %reduce_min3A_192 : vector<256xf32> to vector<256x1xf32>
    %le3A_194 = vector.broadcast %broadcast_in_dim3A_193 : vector<256x1xf32> to vector<256x2048xf32>
    %le3A_195 = arith.cmpf ole, %select_n3A_190, %le3A_194 : vector<256x2048xf32>
    %jit3A_196 = arith.constant 2048 : i32
    %broadcast_in_dim3A_197 = vector.broadcast %jit3A_196 : i32 to vector<256x2048xi32>
    %select_n3A_198 = arith.select %le3A_195, %iota3A, %broadcast_in_dim3A_197 : vector<256x2048xi1>, vector<256x2048xi32>
    %reduce_min3A_199 = arith.constant dense<2147483647> : vector<256xi32>
    %reduce_min3A_200 = vector.multi_reduction <minsi>, %select_n3A_198, %reduce_min3A_199 [1] : vector<256x2048xi32> to vector<256xi32>
    %swap3A_201 = arith.constant 0 : index
    %swap3A_202 = arith.constant 0 : index
    %swap3A_203 = arith.constant 8 : index
    %swap3A_204 = vector.load %arg4[%swap3A_201, %swap3A_202, %swap3A_203] : memref<1x256x16xi32, #tpu.memory_space<vmem>>, vector<1x256x1xi32>
    %swap3A_205 = vector.shape_cast %swap3A_204 : vector<1x256x1xi32> to vector<256xi32>
    %swap3A_206 = vector.shape_cast %reduce_min3A_200 : vector<256xi32> to vector<1x256x1xi32>
    tpu.vector_store %arg4[%swap3A_201, %swap3A_202, %swap3A_203], %swap3A_206 {strides = array<i32>} : memref<1x256x16xi32, #tpu.memory_space<vmem>>, vector<1x256x1xi32>,
    %broadcast_in_dim3A_207 = vector.shape_cast %reduce_min3A_200 : vector<256xi32> to vector<256x1xi32>
    %eq3A_208 = vector.broadcast %broadcast_in_dim3A_207 : vector<256x1xi32> to vector<256x2048xi32>
    %eq3A_209 = arith.cmpi eq, %iota3A, %eq3A_208 : vector<256x2048xi32>
    %jit3A_210 = arith.constant 1.000000e+30 : f32
    %broadcast_in_dim3A_211 = vector.broadcast %jit3A_210 : f32 to vector<256x2048xf32>
    %select_n3A_212 = arith.select %eq3A_209, %broadcast_in_dim3A_211, %select_n3A_190 : vector<256x2048xi1>, vector<256x2048xf32>
    %reduce_min3A_213 = arith.constant dense<0x7F800000> : vector<256xf32>
    %reduce_min3A_214 = vector.multi_reduction <minimumf>, %select_n3A_212, %reduce_min3A_213 [1] : vector<256x2048xf32> to vector<256xf32>
    %broadcast_in_dim3A_215 = vector.shape_cast %reduce_min3A_214 : vector<256xf32> to vector<256x1xf32>
    %le3A_216 = vector.broadcast %broadcast_in_dim3A_215 : vector<256x1xf32> to vector<256x2048xf32>
    %le3A_217 = arith.cmpf ole, %select_n3A_212, %le3A_216 : vector<256x2048xf32>
    %jit3A_218 = arith.constant 2048 : i32
    %broadcast_in_dim3A_219 = vector.broadcast %jit3A_218 : i32 to vector<256x2048xi32>
    %select_n3A_220 = arith.select %le3A_217, %iota3A, %broadcast_in_dim3A_219 : vector<256x2048xi1>, vector<256x2048xi32>
    %reduce_min3A_221 = arith.constant dense<2147483647> : vector<256xi32>
    %reduce_min3A_222 = vector.multi_reduction <minsi>, %select_n3A_220, %reduce_min3A_221 [1] : vector<256x2048xi32> to vector<256xi32>
    %swap3A_223 = arith.constant 0 : index
    %swap3A_224 = arith.constant 0 : index
    %swap3A_225 = arith.constant 9 : index
    %swap3A_226 = vector.load %arg4[%swap3A_223, %swap3A_224, %swap3A_225] : memref<1x256x16xi32, #tpu.memory_space<vmem>>, vector<1x256x1xi32>
    %swap3A_227 = vector.shape_cast %swap3A_226 : vector<1x256x1xi32> to vector<256xi32>
    %swap3A_228 = vector.shape_cast %reduce_min3A_222 : vector<256xi32> to vector<1x256x1xi32>
    tpu.vector_store %arg4[%swap3A_223, %swap3A_224, %swap3A_225], %swap3A_228 {strides = array<i32>} : memref<1x256x16xi32, #tpu.memory_space<vmem>>, vector<1x256x1xi32>,
    %broadcast_in_dim3A_229 = vector.shape_cast %reduce_min3A_222 : vector<256xi32> to vector<256x1xi32>
    %eq3A_230 = vector.broadcast %broadcast_in_dim3A_229 : vector<256x1xi32> to vector<256x2048xi32>
    %eq3A_231 = arith.cmpi eq, %iota3A, %eq3A_230 : vector<256x2048xi32>
    %jit3A_232 = arith.constant 1.000000e+30 : f32
    %broadcast_in_dim3A_233 = vector.broadcast %jit3A_232 : f32 to vector<256x2048xf32>
    %select_n3A_234 = arith.select %eq3A_231, %broadcast_in_dim3A_233, %select_n3A_212 : vector<256x2048xi1>, vector<256x2048xf32>
    %reduce_min3A_235 = arith.constant dense<0x7F800000> : vector<256xf32>
    %reduce_min3A_236 = vector.multi_reduction <minimumf>, %select_n3A_234, %reduce_min3A_235 [1] : vector<256x2048xf32> to vector<256xf32>
    %broadcast_in_dim3A_237 = vector.shape_cast %reduce_min3A_236 : vector<256xf32> to vector<256x1xf32>
    %le3A_238 = vector.broadcast %broadcast_in_dim3A_237 : vector<256x1xf32> to vector<256x2048xf32>
    %le3A_239 = arith.cmpf ole, %select_n3A_234, %le3A_238 : vector<256x2048xf32>
    %jit3A_240 = arith.constant 2048 : i32
    %broadcast_in_dim3A_241 = vector.broadcast %jit3A_240 : i32 to vector<256x2048xi32>
    %select_n3A_242 = arith.select %le3A_239, %iota3A, %broadcast_in_dim3A_241 : vector<256x2048xi1>, vector<256x2048xi32>
    %reduce_min3A_243 = arith.constant dense<2147483647> : vector<256xi32>
    %reduce_min3A_244 = vector.multi_reduction <minsi>, %select_n3A_242, %reduce_min3A_243 [1] : vector<256x2048xi32> to vector<256xi32>
    %swap3A_245 = arith.constant 0 : index
    %swap3A_246 = arith.constant 0 : index
    %swap3A_247 = arith.constant 10 : index
    %swap3A_248 = vector.load %arg4[%swap3A_245, %swap3A_246, %swap3A_247] : memref<1x256x16xi32, #tpu.memory_space<vmem>>, vector<1x256x1xi32>
    %swap3A_249 = vector.shape_cast %swap3A_248 : vector<1x256x1xi32> to vector<256xi32>
    %swap3A_250 = vector.shape_cast %reduce_min3A_244 : vector<256xi32> to vector<1x256x1xi32>
    tpu.vector_store %arg4[%swap3A_245, %swap3A_246, %swap3A_247], %swap3A_250 {strides = array<i32>} : memref<1x256x16xi32, #tpu.memory_space<vmem>>, vector<1x256x1xi32>,
    %broadcast_in_dim3A_251 = vector.shape_cast %reduce_min3A_244 : vector<256xi32> to vector<256x1xi32>
    %eq3A_252 = vector.broadcast %broadcast_in_dim3A_251 : vector<256x1xi32> to vector<256x2048xi32>
    %eq3A_253 = arith.cmpi eq, %iota3A, %eq3A_252 : vector<256x2048xi32>
    %jit3A_254 = arith.constant 1.000000e+30 : f32
    %broadcast_in_dim3A_255 = vector.broadcast %jit3A_254 : f32 to vector<256x2048xf32>
    %select_n3A_256 = arith.select %eq3A_253, %broadcast_in_dim3A_255, %select_n3A_234 : vector<256x2048xi1>, vector<256x2048xf32>
    %reduce_min3A_257 = arith.constant dense<0x7F800000> : vector<256xf32>
    %reduce_min3A_258 = vector.multi_reduction <minimumf>, %select_n3A_256, %reduce_min3A_257 [1] : vector<256x2048xf32> to vector<256xf32>
    %broadcast_in_dim3A_259 = vector.shape_cast %reduce_min3A_258 : vector<256xf32> to vector<256x1xf32>
    %le3A_260 = vector.broadcast %broadcast_in_dim3A_259 : vector<256x1xf32> to vector<256x2048xf32>
    %le3A_261 = arith.cmpf ole, %select_n3A_256, %le3A_260 : vector<256x2048xf32>
    %jit3A_262 = arith.constant 2048 : i32
    %broadcast_in_dim3A_263 = vector.broadcast %jit3A_262 : i32 to vector<256x2048xi32>
    %select_n3A_264 = arith.select %le3A_261, %iota3A, %broadcast_in_dim3A_263 : vector<256x2048xi1>, vector<256x2048xi32>
    %reduce_min3A_265 = arith.constant dense<2147483647> : vector<256xi32>
    %reduce_min3A_266 = vector.multi_reduction <minsi>, %select_n3A_264, %reduce_min3A_265 [1] : vector<256x2048xi32> to vector<256xi32>
    %swap3A_267 = arith.constant 0 : index
    %swap3A_268 = arith.constant 0 : index
    %swap3A_269 = arith.constant 11 : index
    %swap3A_270 = vector.load %arg4[%swap3A_267, %swap3A_268, %swap3A_269] : memref<1x256x16xi32, #tpu.memory_space<vmem>>, vector<1x256x1xi32>
    %swap3A_271 = vector.shape_cast %swap3A_270 : vector<1x256x1xi32> to vector<256xi32>
    %swap3A_272 = vector.shape_cast %reduce_min3A_266 : vector<256xi32> to vector<1x256x1xi32>
    tpu.vector_store %arg4[%swap3A_267, %swap3A_268, %swap3A_269], %swap3A_272 {strides = array<i32>} : memref<1x256x16xi32, #tpu.memory_space<vmem>>, vector<1x256x1xi32>,
    %broadcast_in_dim3A_273 = vector.shape_cast %reduce_min3A_266 : vector<256xi32> to vector<256x1xi32>
    %eq3A_274 = vector.broadcast %broadcast_in_dim3A_273 : vector<256x1xi32> to vector<256x2048xi32>
    %eq3A_275 = arith.cmpi eq, %iota3A, %eq3A_274 : vector<256x2048xi32>
    %jit3A_276 = arith.constant 1.000000e+30 : f32
    %broadcast_in_dim3A_277 = vector.broadcast %jit3A_276 : f32 to vector<256x2048xf32>
    %select_n3A_278 = arith.select %eq3A_275, %broadcast_in_dim3A_277, %select_n3A_256 : vector<256x2048xi1>, vector<256x2048xf32>
    %reduce_min3A_279 = arith.constant dense<0x7F800000> : vector<256xf32>
    %reduce_min3A_280 = vector.multi_reduction <minimumf>, %select_n3A_278, %reduce_min3A_279 [1] : vector<256x2048xf32> to vector<256xf32>
    %broadcast_in_dim3A_281 = vector.shape_cast %reduce_min3A_280 : vector<256xf32> to vector<256x1xf32>
    %le3A_282 = vector.broadcast %broadcast_in_dim3A_281 : vector<256x1xf32> to vector<256x2048xf32>
    %le3A_283 = arith.cmpf ole, %select_n3A_278, %le3A_282 : vector<256x2048xf32>
    %jit3A_284 = arith.constant 2048 : i32
    %broadcast_in_dim3A_285 = vector.broadcast %jit3A_284 : i32 to vector<256x2048xi32>
    %select_n3A_286 = arith.select %le3A_283, %iota3A, %broadcast_in_dim3A_285 : vector<256x2048xi1>, vector<256x2048xi32>
    %reduce_min3A_287 = arith.constant dense<2147483647> : vector<256xi32>
    %reduce_min3A_288 = vector.multi_reduction <minsi>, %select_n3A_286, %reduce_min3A_287 [1] : vector<256x2048xi32> to vector<256xi32>
    %swap3A_289 = arith.constant 0 : index
    %swap3A_290 = arith.constant 0 : index
    %swap3A_291 = arith.constant 12 : index
    %swap3A_292 = vector.load %arg4[%swap3A_289, %swap3A_290, %swap3A_291] : memref<1x256x16xi32, #tpu.memory_space<vmem>>, vector<1x256x1xi32>
    %swap3A_293 = vector.shape_cast %swap3A_292 : vector<1x256x1xi32> to vector<256xi32>
    %swap3A_294 = vector.shape_cast %reduce_min3A_288 : vector<256xi32> to vector<1x256x1xi32>
    tpu.vector_store %arg4[%swap3A_289, %swap3A_290, %swap3A_291], %swap3A_294 {strides = array<i32>} : memref<1x256x16xi32, #tpu.memory_space<vmem>>, vector<1x256x1xi32>,
    %broadcast_in_dim3A_295 = vector.shape_cast %reduce_min3A_288 : vector<256xi32> to vector<256x1xi32>
    %eq3A_296 = vector.broadcast %broadcast_in_dim3A_295 : vector<256x1xi32> to vector<256x2048xi32>
    %eq3A_297 = arith.cmpi eq, %iota3A, %eq3A_296 : vector<256x2048xi32>
    %jit3A_298 = arith.constant 1.000000e+30 : f32
    %broadcast_in_dim3A_299 = vector.broadcast %jit3A_298 : f32 to vector<256x2048xf32>
    %select_n3A_300 = arith.select %eq3A_297, %broadcast_in_dim3A_299, %select_n3A_278 : vector<256x2048xi1>, vector<256x2048xf32>
    %reduce_min3A_301 = arith.constant dense<0x7F800000> : vector<256xf32>
    %reduce_min3A_302 = vector.multi_reduction <minimumf>, %select_n3A_300, %reduce_min3A_301 [1] : vector<256x2048xf32> to vector<256xf32>
    %broadcast_in_dim3A_303 = vector.shape_cast %reduce_min3A_302 : vector<256xf32> to vector<256x1xf32>
    %le3A_304 = vector.broadcast %broadcast_in_dim3A_303 : vector<256x1xf32> to vector<256x2048xf32>
    %le3A_305 = arith.cmpf ole, %select_n3A_300, %le3A_304 : vector<256x2048xf32>
    %jit3A_306 = arith.constant 2048 : i32
    %broadcast_in_dim3A_307 = vector.broadcast %jit3A_306 : i32 to vector<256x2048xi32>
    %select_n3A_308 = arith.select %le3A_305, %iota3A, %broadcast_in_dim3A_307 : vector<256x2048xi1>, vector<256x2048xi32>
    %reduce_min3A_309 = arith.constant dense<2147483647> : vector<256xi32>
    %reduce_min3A_310 = vector.multi_reduction <minsi>, %select_n3A_308, %reduce_min3A_309 [1] : vector<256x2048xi32> to vector<256xi32>
    %swap3A_311 = arith.constant 0 : index
    %swap3A_312 = arith.constant 0 : index
    %swap3A_313 = arith.constant 13 : index
    %swap3A_314 = vector.load %arg4[%swap3A_311, %swap3A_312, %swap3A_313] : memref<1x256x16xi32, #tpu.memory_space<vmem>>, vector<1x256x1xi32>
    %swap3A_315 = vector.shape_cast %swap3A_314 : vector<1x256x1xi32> to vector<256xi32>
    %swap3A_316 = vector.shape_cast %reduce_min3A_310 : vector<256xi32> to vector<1x256x1xi32>
    tpu.vector_store %arg4[%swap3A_311, %swap3A_312, %swap3A_313], %swap3A_316 {strides = array<i32>} : memref<1x256x16xi32, #tpu.memory_space<vmem>>, vector<1x256x1xi32>,
    %broadcast_in_dim3A_317 = vector.shape_cast %reduce_min3A_310 : vector<256xi32> to vector<256x1xi32>
    %eq3A_318 = vector.broadcast %broadcast_in_dim3A_317 : vector<256x1xi32> to vector<256x2048xi32>
    %eq3A_319 = arith.cmpi eq, %iota3A, %eq3A_318 : vector<256x2048xi32>
    %jit3A_320 = arith.constant 1.000000e+30 : f32
    %broadcast_in_dim3A_321 = vector.broadcast %jit3A_320 : f32 to vector<256x2048xf32>
    %select_n3A_322 = arith.select %eq3A_319, %broadcast_in_dim3A_321, %select_n3A_300 : vector<256x2048xi1>, vector<256x2048xf32>
    %reduce_min3A_323 = arith.constant dense<0x7F800000> : vector<256xf32>
    %reduce_min3A_324 = vector.multi_reduction <minimumf>, %select_n3A_322, %reduce_min3A_323 [1] : vector<256x2048xf32> to vector<256xf32>
    %broadcast_in_dim3A_325 = vector.shape_cast %reduce_min3A_324 : vector<256xf32> to vector<256x1xf32>
    %le3A_326 = vector.broadcast %broadcast_in_dim3A_325 : vector<256x1xf32> to vector<256x2048xf32>
    %le3A_327 = arith.cmpf ole, %select_n3A_322, %le3A_326 : vector<256x2048xf32>
    %jit3A_328 = arith.constant 2048 : i32
    %broadcast_in_dim3A_329 = vector.broadcast %jit3A_328 : i32 to vector<256x2048xi32>
    %select_n3A_330 = arith.select %le3A_327, %iota3A, %broadcast_in_dim3A_329 : vector<256x2048xi1>, vector<256x2048xi32>
    %reduce_min3A_331 = arith.constant dense<2147483647> : vector<256xi32>
    %reduce_min3A_332 = vector.multi_reduction <minsi>, %select_n3A_330, %reduce_min3A_331 [1] : vector<256x2048xi32> to vector<256xi32>
    %swap3A_333 = arith.constant 0 : index
    %swap3A_334 = arith.constant 0 : index
    %swap3A_335 = arith.constant 14 : index
    %swap3A_336 = vector.load %arg4[%swap3A_333, %swap3A_334, %swap3A_335] : memref<1x256x16xi32, #tpu.memory_space<vmem>>, vector<1x256x1xi32>
    %swap3A_337 = vector.shape_cast %swap3A_336 : vector<1x256x1xi32> to vector<256xi32>
    %swap3A_338 = vector.shape_cast %reduce_min3A_332 : vector<256xi32> to vector<1x256x1xi32>
    tpu.vector_store %arg4[%swap3A_333, %swap3A_334, %swap3A_335], %swap3A_338 {strides = array<i32>} : memref<1x256x16xi32, #tpu.memory_space<vmem>>, vector<1x256x1xi32>,
    %broadcast_in_dim3A_339 = vector.shape_cast %reduce_min3A_332 : vector<256xi32> to vector<256x1xi32>
    %eq3A_340 = vector.broadcast %broadcast_in_dim3A_339 : vector<256x1xi32> to vector<256x2048xi32>
    %eq3A_341 = arith.cmpi eq, %iota3A, %eq3A_340 : vector<256x2048xi32>
    %jit3A_342 = arith.constant 1.000000e+30 : f32
    %broadcast_in_dim3A_343 = vector.broadcast %jit3A_342 : f32 to vector<256x2048xf32>
    %select_n3A_344 = arith.select %eq3A_341, %broadcast_in_dim3A_343, %select_n3A_322 : vector<256x2048xi1>, vector<256x2048xf32>
    %reduce_min3A_345 = arith.constant dense<0x7F800000> : vector<256xf32>
    %reduce_min3A_346 = vector.multi_reduction <minimumf>, %select_n3A_344, %reduce_min3A_345 [1] : vector<256x2048xf32> to vector<256xf32>
    %broadcast_in_dim3A_347 = vector.shape_cast %reduce_min3A_346 : vector<256xf32> to vector<256x1xf32>
    %le3A_348 = vector.broadcast %broadcast_in_dim3A_347 : vector<256x1xf32> to vector<256x2048xf32>
    %le3A_349 = arith.cmpf ole, %select_n3A_344, %le3A_348 : vector<256x2048xf32>
    %jit3A_350 = arith.constant 2048 : i32
    %broadcast_in_dim3A_351 = vector.broadcast %jit3A_350 : i32 to vector<256x2048xi32>
    %select_n3A_352 = arith.select %le3A_349, %iota3A, %broadcast_in_dim3A_351 : vector<256x2048xi1>, vector<256x2048xi32>
    %reduce_min3A_353 = arith.constant dense<2147483647> : vector<256xi32>
    %reduce_min3A_354 = vector.multi_reduction <minsi>, %select_n3A_352, %reduce_min3A_353 [1] : vector<256x2048xi32> to vector<256xi32>
    %swap3A_355 = arith.constant 0 : index
    %swap3A_356 = arith.constant 0 : index
    %swap3A_357 = arith.constant 15 : index
    %swap3A_358 = vector.load %arg4[%swap3A_355, %swap3A_356, %swap3A_357] : memref<1x256x16xi32, #tpu.memory_space<vmem>>, vector<1x256x1xi32>
    %swap3A_359 = vector.shape_cast %swap3A_358 : vector<1x256x1xi32> to vector<256xi32>
    %swap3A_360 = vector.shape_cast %reduce_min3A_354 : vector<256xi32> to vector<1x256x1xi32>
    tpu.vector_store %arg4[%swap3A_355, %swap3A_356, %swap3A_357], %swap3A_360 {strides = array<i32>} : memref<1x256x16xi32, #tpu.memory_space<vmem>>, vector<1x256x1xi32>,
    return
  }
  func.func @transform_0(%arg0: i32, %arg1: i32) -> (i32, i32, i32) {
    %c0_i32 = arith.constant 0 : i32
    %c0_i32_0 = arith.constant 0 : i32
    return %arg0, %arg1, %c0_i32 : i32, i32, i32
  }
  func.func @transform_1(%arg0: i32, %arg1: i32) -> (i32, i32, i32) {
    %c0_i32 = arith.constant 0 : i32
    %c0_i32_0 = arith.constant 0 : i32
    %c0_i32_1 = arith.constant 0 : i32
    return %arg0, %c0_i32, %c0_i32_0 : i32, i32, i32
  }
  func.func @transform_2(%arg0: i32, %arg1: i32) -> (i32, i32, i32) {
    %c0_i32 = arith.constant 0 : i32
    %c0_i32_0 = arith.constant 0 : i32
    return %arg0, %arg1, %c0_i32 : i32, i32, i32
  }
}

module attributes {stable_mosaic.version = 14 : i64} {
  func.func @_mm_kernel(%arg0: i32, %arg1: i32, %arg2: memref<64x64xf32, #tpu.memory_space<vmem>>, %arg3: memref<1x64x4096xf32, #tpu.memory_space<vmem>>, %arg4: memref<1x64x4096xf32, #tpu.memory_space<vmem>>) attributes {dimension_semantics = [#tpu.dimension_semantics<arbitrary>, #tpu.dimension_semantics<arbitrary>], iteration_bounds = array<i64: 8, 4>, scalar_prefetch = 0 : i64, scratch_operands = 0 : i64, tpu.core_type = #tpu.core_type<tc>, window_params = [{pipeline_mode = #tpu.pipeline_mode<synchronous>, transform_indices = @transform_0, window_bounds = array<i64: 64, 64>}, {transform_indices = @transform_1, window_bounds = array<i64: 1, 64, 4096>}, {transform_indices = @transform_2, window_bounds = array<i64: 1, 64, 4096>}]} {
    %get3A = arith.constant 0 : index
    %get3A_0 = arith.constant 0 : index
    %get3A_1 = vector.load %arg2[%get3A, %get3A_0] : memref<64x64xf32, #tpu.memory_space<vmem>>, vector<64x64xf32>
    %get3A_2 = arith.constant 0 : index
    %get3A_3 = arith.constant 0 : index
    %get3A_4 = arith.constant 0 : index
    %get3A_5 = vector.load %arg3[%get3A_2, %get3A_3, %get3A_4] : memref<1x64x4096xf32, #tpu.memory_space<vmem>>, vector<1x64x4096xf32>
    %get3A_6 = vector.shape_cast %get3A_5 : vector<1x64x4096xf32> to vector<64x4096xf32>
    %dot_general3A = arith.constant dense<0.000000e+00> : vector<64x4096xf32>
    %dot_general3A_7 = tpu.matmul %get3A_1, %get3A_6, %dot_general3A {dimension_numbers = #tpu.dot_dimension_numbers<[1], [0], [0], [1], [0, 0, 1, 1], [], []>, transpose_lhs_hint = false} : vector<64x64xf32>, vector<64x4096xf32>, vector<64x4096xf32> -> vector<64x4096xf32>
    %swap3A = arith.constant 0 : index
    %swap3A_8 = arith.constant 0 : index
    %swap3A_9 = arith.constant 0 : index
    %swap3A_10 = vector.load %arg4[%swap3A, %swap3A_8, %swap3A_9] : memref<1x64x4096xf32, #tpu.memory_space<vmem>>, vector<1x64x4096xf32>
    %swap3A_11 = vector.shape_cast %swap3A_10 : vector<1x64x4096xf32> to vector<64x4096xf32>
    %swap3A_12 = vector.shape_cast %dot_general3A_7 : vector<64x4096xf32> to vector<1x64x4096xf32>
    tpu.vector_store %arg4[%swap3A, %swap3A_8, %swap3A_9], %swap3A_12 {strides = array<i32>} : memref<1x64x4096xf32, #tpu.memory_space<vmem>>, vector<1x64x4096xf32>,
    return
  }
  func.func @transform_0(%arg0: i32, %arg1: i32) -> (i32, i32) {
    %c0_i32 = arith.constant 0 : i32
    %c0_i32_0 = arith.constant 0 : i32
    %c0_i32_1 = arith.constant 0 : i32
    return %c0_i32, %c0_i32_0 : i32, i32
  }
  func.func @transform_1(%arg0: i32, %arg1: i32) -> (i32, i32, i32) {
    %c0_i32 = arith.constant 0 : i32
    %c0_i32_0 = arith.constant 0 : i32
    return %arg0, %c0_i32, %arg1 : i32, i32, i32
  }
  func.func @transform_2(%arg0: i32, %arg1: i32) -> (i32, i32, i32) {
    %c0_i32 = arith.constant 0 : i32
    %c0_i32_0 = arith.constant 0 : i32
    return %arg0, %c0_i32, %arg1 : i32, i32, i32
  }
}

module attributes {stable_mosaic.version = 14 : i64} {
  func.func @_knn_kernel(%arg0: i32, %arg1: i32, %arg2: memref<1x256x8xf32, #tpu.memory_space<vmem>>, %arg3: memref<1x1024x8xf32, #tpu.memory_space<vmem>>, %arg4: memref<1x256x16xi32, #tpu.memory_space<vmem>>) attributes {dimension_semantics = [#tpu.dimension_semantics<arbitrary>, #tpu.dimension_semantics<arbitrary>], iteration_bounds = array<i64: 8, 4>, scalar_prefetch = 0 : i64, scratch_operands = 0 : i64, tpu.core_type = #tpu.core_type<tc>, window_params = [{transform_indices = @transform_0, window_bounds = array<i64: 1, 256, 8>}, {transform_indices = @transform_1, window_bounds = array<i64: 1, 1024, 8>}, {transform_indices = @transform_2, window_bounds = array<i64: 1, 256, 16>}]} {
    %get3A = arith.constant 0 : index
    %get3A_0 = arith.constant 0 : index
    %get3A_1 = arith.constant 0 : index
    %get3A_2 = vector.load %arg2[%get3A, %get3A_0, %get3A_1] : memref<1x256x8xf32, #tpu.memory_space<vmem>>, vector<1x256x8xf32>
    %get3A_3 = vector.shape_cast %get3A_2 : vector<1x256x8xf32> to vector<256x8xf32>
    %get3A_4 = arith.constant 0 : index
    %get3A_5 = arith.constant 0 : index
    %get3A_6 = arith.constant 0 : index
    %get3A_7 = vector.load %arg3[%get3A_4, %get3A_5, %get3A_6] : memref<1x1024x8xf32, #tpu.memory_space<vmem>>, vector<1x1024x8xf32>
    %get3A_8 = vector.shape_cast %get3A_7 : vector<1x1024x8xf32> to vector<1024x8xf32>
    %transpose3A = tpu.transpose %get3A_8, [1, 0] : vector<1024x8xf32> -> vector<8x1024xf32>
    %dot_general3A = arith.constant dense<0.000000e+00> : vector<256x1024xf32>
    %dot_general3A_9 = tpu.matmul %get3A_3, %transpose3A, %dot_general3A {dimension_numbers = #tpu.dot_dimension_numbers<[1], [0], [0], [1], [0, 0, 1, 1], [], []>, transpose_lhs_hint = false} : vector<256x8xf32>, vector<8x1024xf32>, vector<256x1024xf32> -> vector<256x1024xf32>
    %mul3A = arith.mulf %get3A_3, %get3A_3 : vector<256x8xf32>
    %reduce_sum3A = arith.constant dense<0.000000e+00> : vector<256xf32>
    %reduce_sum3A_10 = vector.multi_reduction <add>, %mul3A, %reduce_sum3A [1] : vector<256x8xf32> to vector<256xf32>
    %broadcast_in_dim3A = vector.shape_cast %reduce_sum3A_10 : vector<256xf32> to vector<256x1xf32>
    %mul3A_11 = arith.mulf %get3A_8, %get3A_8 : vector<1024x8xf32>
    %reduce_sum3A_12 = arith.constant dense<0.000000e+00> : vector<1024xf32>
    %reduce_sum3A_13 = vector.multi_reduction <add>, %mul3A_11, %reduce_sum3A_12 [1] : vector<1024x8xf32> to vector<1024xf32>
    %broadcast_in_dim3A_14 = vector.shape_cast %reduce_sum3A_13 : vector<1024xf32> to vector<1024x1xf32>
    %mul3A_15 = arith.constant 2.000000e+00 : f32
    %mul3A_16 = vector.broadcast %mul3A_15 : f32 to vector<256x1024xf32>
    %mul3A_17 = arith.mulf %mul3A_16, %dot_general3A_9 : vector<256x1024xf32>
    %sub3A = vector.broadcast %broadcast_in_dim3A : vector<256x1xf32> to vector<256x1024xf32>
    %sub3A_18 = arith.subf %sub3A, %mul3A_17 : vector<256x1024xf32>
    %transpose3A_19 = tpu.transpose %broadcast_in_dim3A_14, [1, 0] : vector<1024x1xf32> -> vector<1x1024xf32>
    %add3A = vector.broadcast %transpose3A_19 : vector<1x1024xf32> to vector<256x1024xf32>
    %add3A_20 = arith.addf %sub3A_18, %add3A : vector<256x1024xf32>
    %iota3A = tpu.iota {dimensions = array<i32: 1>} : vector<256x1024xi32>
    %reduce_min3A = arith.constant dense<0x7F800000> : vector<256xf32>
    %reduce_min3A_21 = vector.multi_reduction <minimumf>, %add3A_20, %reduce_min3A [1] : vector<256x1024xf32> to vector<256xf32>
    %broadcast_in_dim3A_22 = vector.shape_cast %reduce_min3A_21 : vector<256xf32> to vector<256x1xf32>
    %le3A = vector.broadcast %broadcast_in_dim3A_22 : vector<256x1xf32> to vector<256x1024xf32>
    %le3A_23 = arith.cmpf ole, %add3A_20, %le3A : vector<256x1024xf32>
    %jit3A = arith.constant 1024 : i32
    %broadcast_in_dim3A_24 = vector.broadcast %jit3A : i32 to vector<256x1024xi32>
    %select_n3A = arith.select %le3A_23, %iota3A, %broadcast_in_dim3A_24 : vector<256x1024xi1>, vector<256x1024xi32>
    %reduce_min3A_25 = arith.constant dense<2147483647> : vector<256xi32>
    %reduce_min3A_26 = vector.multi_reduction <minsi>, %select_n3A, %reduce_min3A_25 [1] : vector<256x1024xi32> to vector<256xi32>
    %swap3A = arith.constant 0 : index
    %swap3A_27 = arith.constant 0 : index
    %swap3A_28 = arith.constant 0 : index
    %swap3A_29 = vector.load %arg4[%swap3A, %swap3A_27, %swap3A_28] : memref<1x256x16xi32, #tpu.memory_space<vmem>>, vector<1x256x1xi32>
    %swap3A_30 = vector.shape_cast %swap3A_29 : vector<1x256x1xi32> to vector<256xi32>
    %swap3A_31 = vector.shape_cast %reduce_min3A_26 : vector<256xi32> to vector<1x256x1xi32>
    tpu.vector_store %arg4[%swap3A, %swap3A_27, %swap3A_28], %swap3A_31 {strides = array<i32>} : memref<1x256x16xi32, #tpu.memory_space<vmem>>, vector<1x256x1xi32>,
    %broadcast_in_dim3A_32 = vector.shape_cast %reduce_min3A_26 : vector<256xi32> to vector<256x1xi32>
    %eq3A = vector.broadcast %broadcast_in_dim3A_32 : vector<256x1xi32> to vector<256x1024xi32>
    %eq3A_33 = arith.cmpi eq, %iota3A, %eq3A : vector<256x1024xi32>
    %jit3A_34 = arith.constant 1.000000e+30 : f32
    %broadcast_in_dim3A_35 = vector.broadcast %jit3A_34 : f32 to vector<256x1024xf32>
    %select_n3A_36 = arith.select %eq3A_33, %broadcast_in_dim3A_35, %add3A_20 : vector<256x1024xi1>, vector<256x1024xf32>
    %reduce_min3A_37 = arith.constant dense<0x7F800000> : vector<256xf32>
    %reduce_min3A_38 = vector.multi_reduction <minimumf>, %select_n3A_36, %reduce_min3A_37 [1] : vector<256x1024xf32> to vector<256xf32>
    %broadcast_in_dim3A_39 = vector.shape_cast %reduce_min3A_38 : vector<256xf32> to vector<256x1xf32>
    %le3A_40 = vector.broadcast %broadcast_in_dim3A_39 : vector<256x1xf32> to vector<256x1024xf32>
    %le3A_41 = arith.cmpf ole, %select_n3A_36, %le3A_40 : vector<256x1024xf32>
    %jit3A_42 = arith.constant 1024 : i32
    %broadcast_in_dim3A_43 = vector.broadcast %jit3A_42 : i32 to vector<256x1024xi32>
    %select_n3A_44 = arith.select %le3A_41, %iota3A, %broadcast_in_dim3A_43 : vector<256x1024xi1>, vector<256x1024xi32>
    %reduce_min3A_45 = arith.constant dense<2147483647> : vector<256xi32>
    %reduce_min3A_46 = vector.multi_reduction <minsi>, %select_n3A_44, %reduce_min3A_45 [1] : vector<256x1024xi32> to vector<256xi32>
    %swap3A_47 = arith.constant 0 : index
    %swap3A_48 = arith.constant 0 : index
    %swap3A_49 = arith.constant 1 : index
    %swap3A_50 = vector.load %arg4[%swap3A_47, %swap3A_48, %swap3A_49] : memref<1x256x16xi32, #tpu.memory_space<vmem>>, vector<1x256x1xi32>
    %swap3A_51 = vector.shape_cast %swap3A_50 : vector<1x256x1xi32> to vector<256xi32>
    %swap3A_52 = vector.shape_cast %reduce_min3A_46 : vector<256xi32> to vector<1x256x1xi32>
    tpu.vector_store %arg4[%swap3A_47, %swap3A_48, %swap3A_49], %swap3A_52 {strides = array<i32>} : memref<1x256x16xi32, #tpu.memory_space<vmem>>, vector<1x256x1xi32>,
    %broadcast_in_dim3A_53 = vector.shape_cast %reduce_min3A_46 : vector<256xi32> to vector<256x1xi32>
    %eq3A_54 = vector.broadcast %broadcast_in_dim3A_53 : vector<256x1xi32> to vector<256x1024xi32>
    %eq3A_55 = arith.cmpi eq, %iota3A, %eq3A_54 : vector<256x1024xi32>
    %jit3A_56 = arith.constant 1.000000e+30 : f32
    %broadcast_in_dim3A_57 = vector.broadcast %jit3A_56 : f32 to vector<256x1024xf32>
    %select_n3A_58 = arith.select %eq3A_55, %broadcast_in_dim3A_57, %select_n3A_36 : vector<256x1024xi1>, vector<256x1024xf32>
    %reduce_min3A_59 = arith.constant dense<0x7F800000> : vector<256xf32>
    %reduce_min3A_60 = vector.multi_reduction <minimumf>, %select_n3A_58, %reduce_min3A_59 [1] : vector<256x1024xf32> to vector<256xf32>
    %broadcast_in_dim3A_61 = vector.shape_cast %reduce_min3A_60 : vector<256xf32> to vector<256x1xf32>
    %le3A_62 = vector.broadcast %broadcast_in_dim3A_61 : vector<256x1xf32> to vector<256x1024xf32>
    %le3A_63 = arith.cmpf ole, %select_n3A_58, %le3A_62 : vector<256x1024xf32>
    %jit3A_64 = arith.constant 1024 : i32
    %broadcast_in_dim3A_65 = vector.broadcast %jit3A_64 : i32 to vector<256x1024xi32>
    %select_n3A_66 = arith.select %le3A_63, %iota3A, %broadcast_in_dim3A_65 : vector<256x1024xi1>, vector<256x1024xi32>
    %reduce_min3A_67 = arith.constant dense<2147483647> : vector<256xi32>
    %reduce_min3A_68 = vector.multi_reduction <minsi>, %select_n3A_66, %reduce_min3A_67 [1] : vector<256x1024xi32> to vector<256xi32>
    %swap3A_69 = arith.constant 0 : index
    %swap3A_70 = arith.constant 0 : index
    %swap3A_71 = arith.constant 2 : index
    %swap3A_72 = vector.load %arg4[%swap3A_69, %swap3A_70, %swap3A_71] : memref<1x256x16xi32, #tpu.memory_space<vmem>>, vector<1x256x1xi32>
    %swap3A_73 = vector.shape_cast %swap3A_72 : vector<1x256x1xi32> to vector<256xi32>
    %swap3A_74 = vector.shape_cast %reduce_min3A_68 : vector<256xi32> to vector<1x256x1xi32>
    tpu.vector_store %arg4[%swap3A_69, %swap3A_70, %swap3A_71], %swap3A_74 {strides = array<i32>} : memref<1x256x16xi32, #tpu.memory_space<vmem>>, vector<1x256x1xi32>,
    %broadcast_in_dim3A_75 = vector.shape_cast %reduce_min3A_68 : vector<256xi32> to vector<256x1xi32>
    %eq3A_76 = vector.broadcast %broadcast_in_dim3A_75 : vector<256x1xi32> to vector<256x1024xi32>
    %eq3A_77 = arith.cmpi eq, %iota3A, %eq3A_76 : vector<256x1024xi32>
    %jit3A_78 = arith.constant 1.000000e+30 : f32
    %broadcast_in_dim3A_79 = vector.broadcast %jit3A_78 : f32 to vector<256x1024xf32>
    %select_n3A_80 = arith.select %eq3A_77, %broadcast_in_dim3A_79, %select_n3A_58 : vector<256x1024xi1>, vector<256x1024xf32>
    %reduce_min3A_81 = arith.constant dense<0x7F800000> : vector<256xf32>
    %reduce_min3A_82 = vector.multi_reduction <minimumf>, %select_n3A_80, %reduce_min3A_81 [1] : vector<256x1024xf32> to vector<256xf32>
    %broadcast_in_dim3A_83 = vector.shape_cast %reduce_min3A_82 : vector<256xf32> to vector<256x1xf32>
    %le3A_84 = vector.broadcast %broadcast_in_dim3A_83 : vector<256x1xf32> to vector<256x1024xf32>
    %le3A_85 = arith.cmpf ole, %select_n3A_80, %le3A_84 : vector<256x1024xf32>
    %jit3A_86 = arith.constant 1024 : i32
    %broadcast_in_dim3A_87 = vector.broadcast %jit3A_86 : i32 to vector<256x1024xi32>
    %select_n3A_88 = arith.select %le3A_85, %iota3A, %broadcast_in_dim3A_87 : vector<256x1024xi1>, vector<256x1024xi32>
    %reduce_min3A_89 = arith.constant dense<2147483647> : vector<256xi32>
    %reduce_min3A_90 = vector.multi_reduction <minsi>, %select_n3A_88, %reduce_min3A_89 [1] : vector<256x1024xi32> to vector<256xi32>
    %swap3A_91 = arith.constant 0 : index
    %swap3A_92 = arith.constant 0 : index
    %swap3A_93 = arith.constant 3 : index
    %swap3A_94 = vector.load %arg4[%swap3A_91, %swap3A_92, %swap3A_93] : memref<1x256x16xi32, #tpu.memory_space<vmem>>, vector<1x256x1xi32>
    %swap3A_95 = vector.shape_cast %swap3A_94 : vector<1x256x1xi32> to vector<256xi32>
    %swap3A_96 = vector.shape_cast %reduce_min3A_90 : vector<256xi32> to vector<1x256x1xi32>
    tpu.vector_store %arg4[%swap3A_91, %swap3A_92, %swap3A_93], %swap3A_96 {strides = array<i32>} : memref<1x256x16xi32, #tpu.memory_space<vmem>>, vector<1x256x1xi32>,
    %broadcast_in_dim3A_97 = vector.shape_cast %reduce_min3A_90 : vector<256xi32> to vector<256x1xi32>
    %eq3A_98 = vector.broadcast %broadcast_in_dim3A_97 : vector<256x1xi32> to vector<256x1024xi32>
    %eq3A_99 = arith.cmpi eq, %iota3A, %eq3A_98 : vector<256x1024xi32>
    %jit3A_100 = arith.constant 1.000000e+30 : f32
    %broadcast_in_dim3A_101 = vector.broadcast %jit3A_100 : f32 to vector<256x1024xf32>
    %select_n3A_102 = arith.select %eq3A_99, %broadcast_in_dim3A_101, %select_n3A_80 : vector<256x1024xi1>, vector<256x1024xf32>
    %reduce_min3A_103 = arith.constant dense<0x7F800000> : vector<256xf32>
    %reduce_min3A_104 = vector.multi_reduction <minimumf>, %select_n3A_102, %reduce_min3A_103 [1] : vector<256x1024xf32> to vector<256xf32>
    %broadcast_in_dim3A_105 = vector.shape_cast %reduce_min3A_104 : vector<256xf32> to vector<256x1xf32>
    %le3A_106 = vector.broadcast %broadcast_in_dim3A_105 : vector<256x1xf32> to vector<256x1024xf32>
    %le3A_107 = arith.cmpf ole, %select_n3A_102, %le3A_106 : vector<256x1024xf32>
    %jit3A_108 = arith.constant 1024 : i32
    %broadcast_in_dim3A_109 = vector.broadcast %jit3A_108 : i32 to vector<256x1024xi32>
    %select_n3A_110 = arith.select %le3A_107, %iota3A, %broadcast_in_dim3A_109 : vector<256x1024xi1>, vector<256x1024xi32>
    %reduce_min3A_111 = arith.constant dense<2147483647> : vector<256xi32>
    %reduce_min3A_112 = vector.multi_reduction <minsi>, %select_n3A_110, %reduce_min3A_111 [1] : vector<256x1024xi32> to vector<256xi32>
    %swap3A_113 = arith.constant 0 : index
    %swap3A_114 = arith.constant 0 : index
    %swap3A_115 = arith.constant 4 : index
    %swap3A_116 = vector.load %arg4[%swap3A_113, %swap3A_114, %swap3A_115] : memref<1x256x16xi32, #tpu.memory_space<vmem>>, vector<1x256x1xi32>
    %swap3A_117 = vector.shape_cast %swap3A_116 : vector<1x256x1xi32> to vector<256xi32>
    %swap3A_118 = vector.shape_cast %reduce_min3A_112 : vector<256xi32> to vector<1x256x1xi32>
    tpu.vector_store %arg4[%swap3A_113, %swap3A_114, %swap3A_115], %swap3A_118 {strides = array<i32>} : memref<1x256x16xi32, #tpu.memory_space<vmem>>, vector<1x256x1xi32>,
    %broadcast_in_dim3A_119 = vector.shape_cast %reduce_min3A_112 : vector<256xi32> to vector<256x1xi32>
    %eq3A_120 = vector.broadcast %broadcast_in_dim3A_119 : vector<256x1xi32> to vector<256x1024xi32>
    %eq3A_121 = arith.cmpi eq, %iota3A, %eq3A_120 : vector<256x1024xi32>
    %jit3A_122 = arith.constant 1.000000e+30 : f32
    %broadcast_in_dim3A_123 = vector.broadcast %jit3A_122 : f32 to vector<256x1024xf32>
    %select_n3A_124 = arith.select %eq3A_121, %broadcast_in_dim3A_123, %select_n3A_102 : vector<256x1024xi1>, vector<256x1024xf32>
    %reduce_min3A_125 = arith.constant dense<0x7F800000> : vector<256xf32>
    %reduce_min3A_126 = vector.multi_reduction <minimumf>, %select_n3A_124, %reduce_min3A_125 [1] : vector<256x1024xf32> to vector<256xf32>
    %broadcast_in_dim3A_127 = vector.shape_cast %reduce_min3A_126 : vector<256xf32> to vector<256x1xf32>
    %le3A_128 = vector.broadcast %broadcast_in_dim3A_127 : vector<256x1xf32> to vector<256x1024xf32>
    %le3A_129 = arith.cmpf ole, %select_n3A_124, %le3A_128 : vector<256x1024xf32>
    %jit3A_130 = arith.constant 1024 : i32
    %broadcast_in_dim3A_131 = vector.broadcast %jit3A_130 : i32 to vector<256x1024xi32>
    %select_n3A_132 = arith.select %le3A_129, %iota3A, %broadcast_in_dim3A_131 : vector<256x1024xi1>, vector<256x1024xi32>
    %reduce_min3A_133 = arith.constant dense<2147483647> : vector<256xi32>
    %reduce_min3A_134 = vector.multi_reduction <minsi>, %select_n3A_132, %reduce_min3A_133 [1] : vector<256x1024xi32> to vector<256xi32>
    %swap3A_135 = arith.constant 0 : index
    %swap3A_136 = arith.constant 0 : index
    %swap3A_137 = arith.constant 5 : index
    %swap3A_138 = vector.load %arg4[%swap3A_135, %swap3A_136, %swap3A_137] : memref<1x256x16xi32, #tpu.memory_space<vmem>>, vector<1x256x1xi32>
    %swap3A_139 = vector.shape_cast %swap3A_138 : vector<1x256x1xi32> to vector<256xi32>
    %swap3A_140 = vector.shape_cast %reduce_min3A_134 : vector<256xi32> to vector<1x256x1xi32>
    tpu.vector_store %arg4[%swap3A_135, %swap3A_136, %swap3A_137], %swap3A_140 {strides = array<i32>} : memref<1x256x16xi32, #tpu.memory_space<vmem>>, vector<1x256x1xi32>,
    %broadcast_in_dim3A_141 = vector.shape_cast %reduce_min3A_134 : vector<256xi32> to vector<256x1xi32>
    %eq3A_142 = vector.broadcast %broadcast_in_dim3A_141 : vector<256x1xi32> to vector<256x1024xi32>
    %eq3A_143 = arith.cmpi eq, %iota3A, %eq3A_142 : vector<256x1024xi32>
    %jit3A_144 = arith.constant 1.000000e+30 : f32
    %broadcast_in_dim3A_145 = vector.broadcast %jit3A_144 : f32 to vector<256x1024xf32>
    %select_n3A_146 = arith.select %eq3A_143, %broadcast_in_dim3A_145, %select_n3A_124 : vector<256x1024xi1>, vector<256x1024xf32>
    %reduce_min3A_147 = arith.constant dense<0x7F800000> : vector<256xf32>
    %reduce_min3A_148 = vector.multi_reduction <minimumf>, %select_n3A_146, %reduce_min3A_147 [1] : vector<256x1024xf32> to vector<256xf32>
    %broadcast_in_dim3A_149 = vector.shape_cast %reduce_min3A_148 : vector<256xf32> to vector<256x1xf32>
    %le3A_150 = vector.broadcast %broadcast_in_dim3A_149 : vector<256x1xf32> to vector<256x1024xf32>
    %le3A_151 = arith.cmpf ole, %select_n3A_146, %le3A_150 : vector<256x1024xf32>
    %jit3A_152 = arith.constant 1024 : i32
    %broadcast_in_dim3A_153 = vector.broadcast %jit3A_152 : i32 to vector<256x1024xi32>
    %select_n3A_154 = arith.select %le3A_151, %iota3A, %broadcast_in_dim3A_153 : vector<256x1024xi1>, vector<256x1024xi32>
    %reduce_min3A_155 = arith.constant dense<2147483647> : vector<256xi32>
    %reduce_min3A_156 = vector.multi_reduction <minsi>, %select_n3A_154, %reduce_min3A_155 [1] : vector<256x1024xi32> to vector<256xi32>
    %swap3A_157 = arith.constant 0 : index
    %swap3A_158 = arith.constant 0 : index
    %swap3A_159 = arith.constant 6 : index
    %swap3A_160 = vector.load %arg4[%swap3A_157, %swap3A_158, %swap3A_159] : memref<1x256x16xi32, #tpu.memory_space<vmem>>, vector<1x256x1xi32>
    %swap3A_161 = vector.shape_cast %swap3A_160 : vector<1x256x1xi32> to vector<256xi32>
    %swap3A_162 = vector.shape_cast %reduce_min3A_156 : vector<256xi32> to vector<1x256x1xi32>
    tpu.vector_store %arg4[%swap3A_157, %swap3A_158, %swap3A_159], %swap3A_162 {strides = array<i32>} : memref<1x256x16xi32, #tpu.memory_space<vmem>>, vector<1x256x1xi32>,
    %broadcast_in_dim3A_163 = vector.shape_cast %reduce_min3A_156 : vector<256xi32> to vector<256x1xi32>
    %eq3A_164 = vector.broadcast %broadcast_in_dim3A_163 : vector<256x1xi32> to vector<256x1024xi32>
    %eq3A_165 = arith.cmpi eq, %iota3A, %eq3A_164 : vector<256x1024xi32>
    %jit3A_166 = arith.constant 1.000000e+30 : f32
    %broadcast_in_dim3A_167 = vector.broadcast %jit3A_166 : f32 to vector<256x1024xf32>
    %select_n3A_168 = arith.select %eq3A_165, %broadcast_in_dim3A_167, %select_n3A_146 : vector<256x1024xi1>, vector<256x1024xf32>
    %reduce_min3A_169 = arith.constant dense<0x7F800000> : vector<256xf32>
    %reduce_min3A_170 = vector.multi_reduction <minimumf>, %select_n3A_168, %reduce_min3A_169 [1] : vector<256x1024xf32> to vector<256xf32>
    %broadcast_in_dim3A_171 = vector.shape_cast %reduce_min3A_170 : vector<256xf32> to vector<256x1xf32>
    %le3A_172 = vector.broadcast %broadcast_in_dim3A_171 : vector<256x1xf32> to vector<256x1024xf32>
    %le3A_173 = arith.cmpf ole, %select_n3A_168, %le3A_172 : vector<256x1024xf32>
    %jit3A_174 = arith.constant 1024 : i32
    %broadcast_in_dim3A_175 = vector.broadcast %jit3A_174 : i32 to vector<256x1024xi32>
    %select_n3A_176 = arith.select %le3A_173, %iota3A, %broadcast_in_dim3A_175 : vector<256x1024xi1>, vector<256x1024xi32>
    %reduce_min3A_177 = arith.constant dense<2147483647> : vector<256xi32>
    %reduce_min3A_178 = vector.multi_reduction <minsi>, %select_n3A_176, %reduce_min3A_177 [1] : vector<256x1024xi32> to vector<256xi32>
    %swap3A_179 = arith.constant 0 : index
    %swap3A_180 = arith.constant 0 : index
    %swap3A_181 = arith.constant 7 : index
    %swap3A_182 = vector.load %arg4[%swap3A_179, %swap3A_180, %swap3A_181] : memref<1x256x16xi32, #tpu.memory_space<vmem>>, vector<1x256x1xi32>
    %swap3A_183 = vector.shape_cast %swap3A_182 : vector<1x256x1xi32> to vector<256xi32>
    %swap3A_184 = vector.shape_cast %reduce_min3A_178 : vector<256xi32> to vector<1x256x1xi32>
    tpu.vector_store %arg4[%swap3A_179, %swap3A_180, %swap3A_181], %swap3A_184 {strides = array<i32>} : memref<1x256x16xi32, #tpu.memory_space<vmem>>, vector<1x256x1xi32>,
    %broadcast_in_dim3A_185 = vector.shape_cast %reduce_min3A_178 : vector<256xi32> to vector<256x1xi32>
    %eq3A_186 = vector.broadcast %broadcast_in_dim3A_185 : vector<256x1xi32> to vector<256x1024xi32>
    %eq3A_187 = arith.cmpi eq, %iota3A, %eq3A_186 : vector<256x1024xi32>
    %jit3A_188 = arith.constant 1.000000e+30 : f32
    %broadcast_in_dim3A_189 = vector.broadcast %jit3A_188 : f32 to vector<256x1024xf32>
    %select_n3A_190 = arith.select %eq3A_187, %broadcast_in_dim3A_189, %select_n3A_168 : vector<256x1024xi1>, vector<256x1024xf32>
    %reduce_min3A_191 = arith.constant dense<0x7F800000> : vector<256xf32>
    %reduce_min3A_192 = vector.multi_reduction <minimumf>, %select_n3A_190, %reduce_min3A_191 [1] : vector<256x1024xf32> to vector<256xf32>
    %broadcast_in_dim3A_193 = vector.shape_cast %reduce_min3A_192 : vector<256xf32> to vector<256x1xf32>
    %le3A_194 = vector.broadcast %broadcast_in_dim3A_193 : vector<256x1xf32> to vector<256x1024xf32>
    %le3A_195 = arith.cmpf ole, %select_n3A_190, %le3A_194 : vector<256x1024xf32>
    %jit3A_196 = arith.constant 1024 : i32
    %broadcast_in_dim3A_197 = vector.broadcast %jit3A_196 : i32 to vector<256x1024xi32>
    %select_n3A_198 = arith.select %le3A_195, %iota3A, %broadcast_in_dim3A_197 : vector<256x1024xi1>, vector<256x1024xi32>
    %reduce_min3A_199 = arith.constant dense<2147483647> : vector<256xi32>
    %reduce_min3A_200 = vector.multi_reduction <minsi>, %select_n3A_198, %reduce_min3A_199 [1] : vector<256x1024xi32> to vector<256xi32>
    %swap3A_201 = arith.constant 0 : index
    %swap3A_202 = arith.constant 0 : index
    %swap3A_203 = arith.constant 8 : index
    %swap3A_204 = vector.load %arg4[%swap3A_201, %swap3A_202, %swap3A_203] : memref<1x256x16xi32, #tpu.memory_space<vmem>>, vector<1x256x1xi32>
    %swap3A_205 = vector.shape_cast %swap3A_204 : vector<1x256x1xi32> to vector<256xi32>
    %swap3A_206 = vector.shape_cast %reduce_min3A_200 : vector<256xi32> to vector<1x256x1xi32>
    tpu.vector_store %arg4[%swap3A_201, %swap3A_202, %swap3A_203], %swap3A_206 {strides = array<i32>} : memref<1x256x16xi32, #tpu.memory_space<vmem>>, vector<1x256x1xi32>,
    %broadcast_in_dim3A_207 = vector.shape_cast %reduce_min3A_200 : vector<256xi32> to vector<256x1xi32>
    %eq3A_208 = vector.broadcast %broadcast_in_dim3A_207 : vector<256x1xi32> to vector<256x1024xi32>
    %eq3A_209 = arith.cmpi eq, %iota3A, %eq3A_208 : vector<256x1024xi32>
    %jit3A_210 = arith.constant 1.000000e+30 : f32
    %broadcast_in_dim3A_211 = vector.broadcast %jit3A_210 : f32 to vector<256x1024xf32>
    %select_n3A_212 = arith.select %eq3A_209, %broadcast_in_dim3A_211, %select_n3A_190 : vector<256x1024xi1>, vector<256x1024xf32>
    %reduce_min3A_213 = arith.constant dense<0x7F800000> : vector<256xf32>
    %reduce_min3A_214 = vector.multi_reduction <minimumf>, %select_n3A_212, %reduce_min3A_213 [1] : vector<256x1024xf32> to vector<256xf32>
    %broadcast_in_dim3A_215 = vector.shape_cast %reduce_min3A_214 : vector<256xf32> to vector<256x1xf32>
    %le3A_216 = vector.broadcast %broadcast_in_dim3A_215 : vector<256x1xf32> to vector<256x1024xf32>
    %le3A_217 = arith.cmpf ole, %select_n3A_212, %le3A_216 : vector<256x1024xf32>
    %jit3A_218 = arith.constant 1024 : i32
    %broadcast_in_dim3A_219 = vector.broadcast %jit3A_218 : i32 to vector<256x1024xi32>
    %select_n3A_220 = arith.select %le3A_217, %iota3A, %broadcast_in_dim3A_219 : vector<256x1024xi1>, vector<256x1024xi32>
    %reduce_min3A_221 = arith.constant dense<2147483647> : vector<256xi32>
    %reduce_min3A_222 = vector.multi_reduction <minsi>, %select_n3A_220, %reduce_min3A_221 [1] : vector<256x1024xi32> to vector<256xi32>
    %swap3A_223 = arith.constant 0 : index
    %swap3A_224 = arith.constant 0 : index
    %swap3A_225 = arith.constant 9 : index
    %swap3A_226 = vector.load %arg4[%swap3A_223, %swap3A_224, %swap3A_225] : memref<1x256x16xi32, #tpu.memory_space<vmem>>, vector<1x256x1xi32>
    %swap3A_227 = vector.shape_cast %swap3A_226 : vector<1x256x1xi32> to vector<256xi32>
    %swap3A_228 = vector.shape_cast %reduce_min3A_222 : vector<256xi32> to vector<1x256x1xi32>
    tpu.vector_store %arg4[%swap3A_223, %swap3A_224, %swap3A_225], %swap3A_228 {strides = array<i32>} : memref<1x256x16xi32, #tpu.memory_space<vmem>>, vector<1x256x1xi32>,
    %broadcast_in_dim3A_229 = vector.shape_cast %reduce_min3A_222 : vector<256xi32> to vector<256x1xi32>
    %eq3A_230 = vector.broadcast %broadcast_in_dim3A_229 : vector<256x1xi32> to vector<256x1024xi32>
    %eq3A_231 = arith.cmpi eq, %iota3A, %eq3A_230 : vector<256x1024xi32>
    %jit3A_232 = arith.constant 1.000000e+30 : f32
    %broadcast_in_dim3A_233 = vector.broadcast %jit3A_232 : f32 to vector<256x1024xf32>
    %select_n3A_234 = arith.select %eq3A_231, %broadcast_in_dim3A_233, %select_n3A_212 : vector<256x1024xi1>, vector<256x1024xf32>
    %reduce_min3A_235 = arith.constant dense<0x7F800000> : vector<256xf32>
    %reduce_min3A_236 = vector.multi_reduction <minimumf>, %select_n3A_234, %reduce_min3A_235 [1] : vector<256x1024xf32> to vector<256xf32>
    %broadcast_in_dim3A_237 = vector.shape_cast %reduce_min3A_236 : vector<256xf32> to vector<256x1xf32>
    %le3A_238 = vector.broadcast %broadcast_in_dim3A_237 : vector<256x1xf32> to vector<256x1024xf32>
    %le3A_239 = arith.cmpf ole, %select_n3A_234, %le3A_238 : vector<256x1024xf32>
    %jit3A_240 = arith.constant 1024 : i32
    %broadcast_in_dim3A_241 = vector.broadcast %jit3A_240 : i32 to vector<256x1024xi32>
    %select_n3A_242 = arith.select %le3A_239, %iota3A, %broadcast_in_dim3A_241 : vector<256x1024xi1>, vector<256x1024xi32>
    %reduce_min3A_243 = arith.constant dense<2147483647> : vector<256xi32>
    %reduce_min3A_244 = vector.multi_reduction <minsi>, %select_n3A_242, %reduce_min3A_243 [1] : vector<256x1024xi32> to vector<256xi32>
    %swap3A_245 = arith.constant 0 : index
    %swap3A_246 = arith.constant 0 : index
    %swap3A_247 = arith.constant 10 : index
    %swap3A_248 = vector.load %arg4[%swap3A_245, %swap3A_246, %swap3A_247] : memref<1x256x16xi32, #tpu.memory_space<vmem>>, vector<1x256x1xi32>
    %swap3A_249 = vector.shape_cast %swap3A_248 : vector<1x256x1xi32> to vector<256xi32>
    %swap3A_250 = vector.shape_cast %reduce_min3A_244 : vector<256xi32> to vector<1x256x1xi32>
    tpu.vector_store %arg4[%swap3A_245, %swap3A_246, %swap3A_247], %swap3A_250 {strides = array<i32>} : memref<1x256x16xi32, #tpu.memory_space<vmem>>, vector<1x256x1xi32>,
    %broadcast_in_dim3A_251 = vector.shape_cast %reduce_min3A_244 : vector<256xi32> to vector<256x1xi32>
    %eq3A_252 = vector.broadcast %broadcast_in_dim3A_251 : vector<256x1xi32> to vector<256x1024xi32>
    %eq3A_253 = arith.cmpi eq, %iota3A, %eq3A_252 : vector<256x1024xi32>
    %jit3A_254 = arith.constant 1.000000e+30 : f32
    %broadcast_in_dim3A_255 = vector.broadcast %jit3A_254 : f32 to vector<256x1024xf32>
    %select_n3A_256 = arith.select %eq3A_253, %broadcast_in_dim3A_255, %select_n3A_234 : vector<256x1024xi1>, vector<256x1024xf32>
    %reduce_min3A_257 = arith.constant dense<0x7F800000> : vector<256xf32>
    %reduce_min3A_258 = vector.multi_reduction <minimumf>, %select_n3A_256, %reduce_min3A_257 [1] : vector<256x1024xf32> to vector<256xf32>
    %broadcast_in_dim3A_259 = vector.shape_cast %reduce_min3A_258 : vector<256xf32> to vector<256x1xf32>
    %le3A_260 = vector.broadcast %broadcast_in_dim3A_259 : vector<256x1xf32> to vector<256x1024xf32>
    %le3A_261 = arith.cmpf ole, %select_n3A_256, %le3A_260 : vector<256x1024xf32>
    %jit3A_262 = arith.constant 1024 : i32
    %broadcast_in_dim3A_263 = vector.broadcast %jit3A_262 : i32 to vector<256x1024xi32>
    %select_n3A_264 = arith.select %le3A_261, %iota3A, %broadcast_in_dim3A_263 : vector<256x1024xi1>, vector<256x1024xi32>
    %reduce_min3A_265 = arith.constant dense<2147483647> : vector<256xi32>
    %reduce_min3A_266 = vector.multi_reduction <minsi>, %select_n3A_264, %reduce_min3A_265 [1] : vector<256x1024xi32> to vector<256xi32>
    %swap3A_267 = arith.constant 0 : index
    %swap3A_268 = arith.constant 0 : index
    %swap3A_269 = arith.constant 11 : index
    %swap3A_270 = vector.load %arg4[%swap3A_267, %swap3A_268, %swap3A_269] : memref<1x256x16xi32, #tpu.memory_space<vmem>>, vector<1x256x1xi32>
    %swap3A_271 = vector.shape_cast %swap3A_270 : vector<1x256x1xi32> to vector<256xi32>
    %swap3A_272 = vector.shape_cast %reduce_min3A_266 : vector<256xi32> to vector<1x256x1xi32>
    tpu.vector_store %arg4[%swap3A_267, %swap3A_268, %swap3A_269], %swap3A_272 {strides = array<i32>} : memref<1x256x16xi32, #tpu.memory_space<vmem>>, vector<1x256x1xi32>,
    %broadcast_in_dim3A_273 = vector.shape_cast %reduce_min3A_266 : vector<256xi32> to vector<256x1xi32>
    %eq3A_274 = vector.broadcast %broadcast_in_dim3A_273 : vector<256x1xi32> to vector<256x1024xi32>
    %eq3A_275 = arith.cmpi eq, %iota3A, %eq3A_274 : vector<256x1024xi32>
    %jit3A_276 = arith.constant 1.000000e+30 : f32
    %broadcast_in_dim3A_277 = vector.broadcast %jit3A_276 : f32 to vector<256x1024xf32>
    %select_n3A_278 = arith.select %eq3A_275, %broadcast_in_dim3A_277, %select_n3A_256 : vector<256x1024xi1>, vector<256x1024xf32>
    %reduce_min3A_279 = arith.constant dense<0x7F800000> : vector<256xf32>
    %reduce_min3A_280 = vector.multi_reduction <minimumf>, %select_n3A_278, %reduce_min3A_279 [1] : vector<256x1024xf32> to vector<256xf32>
    %broadcast_in_dim3A_281 = vector.shape_cast %reduce_min3A_280 : vector<256xf32> to vector<256x1xf32>
    %le3A_282 = vector.broadcast %broadcast_in_dim3A_281 : vector<256x1xf32> to vector<256x1024xf32>
    %le3A_283 = arith.cmpf ole, %select_n3A_278, %le3A_282 : vector<256x1024xf32>
    %jit3A_284 = arith.constant 1024 : i32
    %broadcast_in_dim3A_285 = vector.broadcast %jit3A_284 : i32 to vector<256x1024xi32>
    %select_n3A_286 = arith.select %le3A_283, %iota3A, %broadcast_in_dim3A_285 : vector<256x1024xi1>, vector<256x1024xi32>
    %reduce_min3A_287 = arith.constant dense<2147483647> : vector<256xi32>
    %reduce_min3A_288 = vector.multi_reduction <minsi>, %select_n3A_286, %reduce_min3A_287 [1] : vector<256x1024xi32> to vector<256xi32>
    %swap3A_289 = arith.constant 0 : index
    %swap3A_290 = arith.constant 0 : index
    %swap3A_291 = arith.constant 12 : index
    %swap3A_292 = vector.load %arg4[%swap3A_289, %swap3A_290, %swap3A_291] : memref<1x256x16xi32, #tpu.memory_space<vmem>>, vector<1x256x1xi32>
    %swap3A_293 = vector.shape_cast %swap3A_292 : vector<1x256x1xi32> to vector<256xi32>
    %swap3A_294 = vector.shape_cast %reduce_min3A_288 : vector<256xi32> to vector<1x256x1xi32>
    tpu.vector_store %arg4[%swap3A_289, %swap3A_290, %swap3A_291], %swap3A_294 {strides = array<i32>} : memref<1x256x16xi32, #tpu.memory_space<vmem>>, vector<1x256x1xi32>,
    %broadcast_in_dim3A_295 = vector.shape_cast %reduce_min3A_288 : vector<256xi32> to vector<256x1xi32>
    %eq3A_296 = vector.broadcast %broadcast_in_dim3A_295 : vector<256x1xi32> to vector<256x1024xi32>
    %eq3A_297 = arith.cmpi eq, %iota3A, %eq3A_296 : vector<256x1024xi32>
    %jit3A_298 = arith.constant 1.000000e+30 : f32
    %broadcast_in_dim3A_299 = vector.broadcast %jit3A_298 : f32 to vector<256x1024xf32>
    %select_n3A_300 = arith.select %eq3A_297, %broadcast_in_dim3A_299, %select_n3A_278 : vector<256x1024xi1>, vector<256x1024xf32>
    %reduce_min3A_301 = arith.constant dense<0x7F800000> : vector<256xf32>
    %reduce_min3A_302 = vector.multi_reduction <minimumf>, %select_n3A_300, %reduce_min3A_301 [1] : vector<256x1024xf32> to vector<256xf32>
    %broadcast_in_dim3A_303 = vector.shape_cast %reduce_min3A_302 : vector<256xf32> to vector<256x1xf32>
    %le3A_304 = vector.broadcast %broadcast_in_dim3A_303 : vector<256x1xf32> to vector<256x1024xf32>
    %le3A_305 = arith.cmpf ole, %select_n3A_300, %le3A_304 : vector<256x1024xf32>
    %jit3A_306 = arith.constant 1024 : i32
    %broadcast_in_dim3A_307 = vector.broadcast %jit3A_306 : i32 to vector<256x1024xi32>
    %select_n3A_308 = arith.select %le3A_305, %iota3A, %broadcast_in_dim3A_307 : vector<256x1024xi1>, vector<256x1024xi32>
    %reduce_min3A_309 = arith.constant dense<2147483647> : vector<256xi32>
    %reduce_min3A_310 = vector.multi_reduction <minsi>, %select_n3A_308, %reduce_min3A_309 [1] : vector<256x1024xi32> to vector<256xi32>
    %swap3A_311 = arith.constant 0 : index
    %swap3A_312 = arith.constant 0 : index
    %swap3A_313 = arith.constant 13 : index
    %swap3A_314 = vector.load %arg4[%swap3A_311, %swap3A_312, %swap3A_313] : memref<1x256x16xi32, #tpu.memory_space<vmem>>, vector<1x256x1xi32>
    %swap3A_315 = vector.shape_cast %swap3A_314 : vector<1x256x1xi32> to vector<256xi32>
    %swap3A_316 = vector.shape_cast %reduce_min3A_310 : vector<256xi32> to vector<1x256x1xi32>
    tpu.vector_store %arg4[%swap3A_311, %swap3A_312, %swap3A_313], %swap3A_316 {strides = array<i32>} : memref<1x256x16xi32, #tpu.memory_space<vmem>>, vector<1x256x1xi32>,
    %broadcast_in_dim3A_317 = vector.shape_cast %reduce_min3A_310 : vector<256xi32> to vector<256x1xi32>
    %eq3A_318 = vector.broadcast %broadcast_in_dim3A_317 : vector<256x1xi32> to vector<256x1024xi32>
    %eq3A_319 = arith.cmpi eq, %iota3A, %eq3A_318 : vector<256x1024xi32>
    %jit3A_320 = arith.constant 1.000000e+30 : f32
    %broadcast_in_dim3A_321 = vector.broadcast %jit3A_320 : f32 to vector<256x1024xf32>
    %select_n3A_322 = arith.select %eq3A_319, %broadcast_in_dim3A_321, %select_n3A_300 : vector<256x1024xi1>, vector<256x1024xf32>
    %reduce_min3A_323 = arith.constant dense<0x7F800000> : vector<256xf32>
    %reduce_min3A_324 = vector.multi_reduction <minimumf>, %select_n3A_322, %reduce_min3A_323 [1] : vector<256x1024xf32> to vector<256xf32>
    %broadcast_in_dim3A_325 = vector.shape_cast %reduce_min3A_324 : vector<256xf32> to vector<256x1xf32>
    %le3A_326 = vector.broadcast %broadcast_in_dim3A_325 : vector<256x1xf32> to vector<256x1024xf32>
    %le3A_327 = arith.cmpf ole, %select_n3A_322, %le3A_326 : vector<256x1024xf32>
    %jit3A_328 = arith.constant 1024 : i32
    %broadcast_in_dim3A_329 = vector.broadcast %jit3A_328 : i32 to vector<256x1024xi32>
    %select_n3A_330 = arith.select %le3A_327, %iota3A, %broadcast_in_dim3A_329 : vector<256x1024xi1>, vector<256x1024xi32>
    %reduce_min3A_331 = arith.constant dense<2147483647> : vector<256xi32>
    %reduce_min3A_332 = vector.multi_reduction <minsi>, %select_n3A_330, %reduce_min3A_331 [1] : vector<256x1024xi32> to vector<256xi32>
    %swap3A_333 = arith.constant 0 : index
    %swap3A_334 = arith.constant 0 : index
    %swap3A_335 = arith.constant 14 : index
    %swap3A_336 = vector.load %arg4[%swap3A_333, %swap3A_334, %swap3A_335] : memref<1x256x16xi32, #tpu.memory_space<vmem>>, vector<1x256x1xi32>
    %swap3A_337 = vector.shape_cast %swap3A_336 : vector<1x256x1xi32> to vector<256xi32>
    %swap3A_338 = vector.shape_cast %reduce_min3A_332 : vector<256xi32> to vector<1x256x1xi32>
    tpu.vector_store %arg4[%swap3A_333, %swap3A_334, %swap3A_335], %swap3A_338 {strides = array<i32>} : memref<1x256x16xi32, #tpu.memory_space<vmem>>, vector<1x256x1xi32>,
    %broadcast_in_dim3A_339 = vector.shape_cast %reduce_min3A_332 : vector<256xi32> to vector<256x1xi32>
    %eq3A_340 = vector.broadcast %broadcast_in_dim3A_339 : vector<256x1xi32> to vector<256x1024xi32>
    %eq3A_341 = arith.cmpi eq, %iota3A, %eq3A_340 : vector<256x1024xi32>
    %jit3A_342 = arith.constant 1.000000e+30 : f32
    %broadcast_in_dim3A_343 = vector.broadcast %jit3A_342 : f32 to vector<256x1024xf32>
    %select_n3A_344 = arith.select %eq3A_341, %broadcast_in_dim3A_343, %select_n3A_322 : vector<256x1024xi1>, vector<256x1024xf32>
    %reduce_min3A_345 = arith.constant dense<0x7F800000> : vector<256xf32>
    %reduce_min3A_346 = vector.multi_reduction <minimumf>, %select_n3A_344, %reduce_min3A_345 [1] : vector<256x1024xf32> to vector<256xf32>
    %broadcast_in_dim3A_347 = vector.shape_cast %reduce_min3A_346 : vector<256xf32> to vector<256x1xf32>
    %le3A_348 = vector.broadcast %broadcast_in_dim3A_347 : vector<256x1xf32> to vector<256x1024xf32>
    %le3A_349 = arith.cmpf ole, %select_n3A_344, %le3A_348 : vector<256x1024xf32>
    %jit3A_350 = arith.constant 1024 : i32
    %broadcast_in_dim3A_351 = vector.broadcast %jit3A_350 : i32 to vector<256x1024xi32>
    %select_n3A_352 = arith.select %le3A_349, %iota3A, %broadcast_in_dim3A_351 : vector<256x1024xi1>, vector<256x1024xi32>
    %reduce_min3A_353 = arith.constant dense<2147483647> : vector<256xi32>
    %reduce_min3A_354 = vector.multi_reduction <minsi>, %select_n3A_352, %reduce_min3A_353 [1] : vector<256x1024xi32> to vector<256xi32>
    %swap3A_355 = arith.constant 0 : index
    %swap3A_356 = arith.constant 0 : index
    %swap3A_357 = arith.constant 15 : index
    %swap3A_358 = vector.load %arg4[%swap3A_355, %swap3A_356, %swap3A_357] : memref<1x256x16xi32, #tpu.memory_space<vmem>>, vector<1x256x1xi32>
    %swap3A_359 = vector.shape_cast %swap3A_358 : vector<1x256x1xi32> to vector<256xi32>
    %swap3A_360 = vector.shape_cast %reduce_min3A_354 : vector<256xi32> to vector<1x256x1xi32>
    tpu.vector_store %arg4[%swap3A_355, %swap3A_356, %swap3A_357], %swap3A_360 {strides = array<i32>} : memref<1x256x16xi32, #tpu.memory_space<vmem>>, vector<1x256x1xi32>,
    return
  }
  func.func @transform_0(%arg0: i32, %arg1: i32) -> (i32, i32, i32) {
    %c0_i32 = arith.constant 0 : i32
    %c0_i32_0 = arith.constant 0 : i32
    return %arg0, %arg1, %c0_i32 : i32, i32, i32
  }
  func.func @transform_1(%arg0: i32, %arg1: i32) -> (i32, i32, i32) {
    %c0_i32 = arith.constant 0 : i32
    %c0_i32_0 = arith.constant 0 : i32
    %c0_i32_1 = arith.constant 0 : i32
    return %arg0, %c0_i32, %c0_i32_0 : i32, i32, i32
  }
  func.func @transform_2(%arg0: i32, %arg1: i32) -> (i32, i32, i32) {
    %c0_i32 = arith.constant 0 : i32
    %c0_i32_0 = arith.constant 0 : i32
    return %arg0, %arg1, %c0_i32 : i32, i32, i32
  }
}

module attributes {stable_mosaic.version = 14 : i64} {
  func.func @_mm_kernel(%arg0: i32, %arg1: i32, %arg2: memref<64x128xf32, #tpu.memory_space<vmem>>, %arg3: memref<1x128x4096xf32, #tpu.memory_space<vmem>>, %arg4: memref<1x64x4096xf32, #tpu.memory_space<vmem>>) attributes {dimension_semantics = [#tpu.dimension_semantics<arbitrary>, #tpu.dimension_semantics<arbitrary>], iteration_bounds = array<i64: 8, 4>, scalar_prefetch = 0 : i64, scratch_operands = 0 : i64, tpu.core_type = #tpu.core_type<tc>, window_params = [{pipeline_mode = #tpu.pipeline_mode<synchronous>, transform_indices = @transform_0, window_bounds = array<i64: 64, 128>}, {transform_indices = @transform_1, window_bounds = array<i64: 1, 128, 4096>}, {transform_indices = @transform_2, window_bounds = array<i64: 1, 64, 4096>}]} {
    %get3A = arith.constant 0 : index
    %get3A_0 = arith.constant 0 : index
    %get3A_1 = vector.load %arg2[%get3A, %get3A_0] : memref<64x128xf32, #tpu.memory_space<vmem>>, vector<64x128xf32>
    %get3A_2 = arith.constant 0 : index
    %get3A_3 = arith.constant 0 : index
    %get3A_4 = arith.constant 0 : index
    %get3A_5 = vector.load %arg3[%get3A_2, %get3A_3, %get3A_4] : memref<1x128x4096xf32, #tpu.memory_space<vmem>>, vector<1x128x4096xf32>
    %get3A_6 = vector.shape_cast %get3A_5 : vector<1x128x4096xf32> to vector<128x4096xf32>
    %dot_general3A = arith.constant dense<0.000000e+00> : vector<64x4096xf32>
    %dot_general3A_7 = tpu.matmul %get3A_1, %get3A_6, %dot_general3A {dimension_numbers = #tpu.dot_dimension_numbers<[1], [0], [0], [1], [0, 0, 1, 1], [], []>, transpose_lhs_hint = false} : vector<64x128xf32>, vector<128x4096xf32>, vector<64x4096xf32> -> vector<64x4096xf32>
    %swap3A = arith.constant 0 : index
    %swap3A_8 = arith.constant 0 : index
    %swap3A_9 = arith.constant 0 : index
    %swap3A_10 = vector.load %arg4[%swap3A, %swap3A_8, %swap3A_9] : memref<1x64x4096xf32, #tpu.memory_space<vmem>>, vector<1x64x4096xf32>
    %swap3A_11 = vector.shape_cast %swap3A_10 : vector<1x64x4096xf32> to vector<64x4096xf32>
    %swap3A_12 = vector.shape_cast %dot_general3A_7 : vector<64x4096xf32> to vector<1x64x4096xf32>
    tpu.vector_store %arg4[%swap3A, %swap3A_8, %swap3A_9], %swap3A_12 {strides = array<i32>} : memref<1x64x4096xf32, #tpu.memory_space<vmem>>, vector<1x64x4096xf32>,
    return
  }
  func.func @transform_0(%arg0: i32, %arg1: i32) -> (i32, i32) {
    %c0_i32 = arith.constant 0 : i32
    %c0_i32_0 = arith.constant 0 : i32
    %c0_i32_1 = arith.constant 0 : i32
    return %c0_i32, %c0_i32_0 : i32, i32
  }
  func.func @transform_1(%arg0: i32, %arg1: i32) -> (i32, i32, i32) {
    %c0_i32 = arith.constant 0 : i32
    %c0_i32_0 = arith.constant 0 : i32
    return %arg0, %c0_i32, %arg1 : i32, i32, i32
  }
  func.func @transform_2(%arg0: i32, %arg1: i32) -> (i32, i32, i32) {
    %c0_i32 = arith.constant 0 : i32
    %c0_i32_0 = arith.constant 0 : i32
    return %arg0, %c0_i32, %arg1 : i32, i32, i32
  }
}

module attributes {stable_mosaic.version = 14 : i64} {
  func.func @_knn_kernel(%arg0: i32, %arg1: i32, %arg2: memref<1x256x8xf32, #tpu.memory_space<vmem>>, %arg3: memref<1x1024x8xf32, #tpu.memory_space<vmem>>, %arg4: memref<1x256x16xi32, #tpu.memory_space<vmem>>) attributes {dimension_semantics = [#tpu.dimension_semantics<arbitrary>, #tpu.dimension_semantics<arbitrary>], iteration_bounds = array<i64: 8, 1>, scalar_prefetch = 0 : i64, scratch_operands = 0 : i64, tpu.core_type = #tpu.core_type<tc>, window_params = [{transform_indices = @transform_0, window_bounds = array<i64: 1, 256, 8>}, {transform_indices = @transform_1, window_bounds = array<i64: 1, 1024, 8>}, {transform_indices = @transform_2, window_bounds = array<i64: 1, 256, 16>}]} {
    %get3A = arith.constant 0 : index
    %get3A_0 = arith.constant 0 : index
    %get3A_1 = arith.constant 0 : index
    %get3A_2 = vector.load %arg2[%get3A, %get3A_0, %get3A_1] : memref<1x256x8xf32, #tpu.memory_space<vmem>>, vector<1x256x8xf32>
    %get3A_3 = vector.shape_cast %get3A_2 : vector<1x256x8xf32> to vector<256x8xf32>
    %get3A_4 = arith.constant 0 : index
    %get3A_5 = arith.constant 0 : index
    %get3A_6 = arith.constant 0 : index
    %get3A_7 = vector.load %arg3[%get3A_4, %get3A_5, %get3A_6] : memref<1x1024x8xf32, #tpu.memory_space<vmem>>, vector<1x1024x8xf32>
    %get3A_8 = vector.shape_cast %get3A_7 : vector<1x1024x8xf32> to vector<1024x8xf32>
    %transpose3A = tpu.transpose %get3A_8, [1, 0] : vector<1024x8xf32> -> vector<8x1024xf32>
    %dot_general3A = arith.constant dense<0.000000e+00> : vector<256x1024xf32>
    %dot_general3A_9 = tpu.matmul %get3A_3, %transpose3A, %dot_general3A {dimension_numbers = #tpu.dot_dimension_numbers<[1], [0], [0], [1], [0, 0, 1, 1], [], []>, transpose_lhs_hint = false} : vector<256x8xf32>, vector<8x1024xf32>, vector<256x1024xf32> -> vector<256x1024xf32>
    %mul3A = arith.mulf %get3A_3, %get3A_3 : vector<256x8xf32>
    %reduce_sum3A = arith.constant dense<0.000000e+00> : vector<256xf32>
    %reduce_sum3A_10 = vector.multi_reduction <add>, %mul3A, %reduce_sum3A [1] : vector<256x8xf32> to vector<256xf32>
    %broadcast_in_dim3A = vector.shape_cast %reduce_sum3A_10 : vector<256xf32> to vector<256x1xf32>
    %mul3A_11 = arith.mulf %get3A_8, %get3A_8 : vector<1024x8xf32>
    %reduce_sum3A_12 = arith.constant dense<0.000000e+00> : vector<1024xf32>
    %reduce_sum3A_13 = vector.multi_reduction <add>, %mul3A_11, %reduce_sum3A_12 [1] : vector<1024x8xf32> to vector<1024xf32>
    %broadcast_in_dim3A_14 = vector.shape_cast %reduce_sum3A_13 : vector<1024xf32> to vector<1024x1xf32>
    %mul3A_15 = arith.constant 2.000000e+00 : f32
    %mul3A_16 = vector.broadcast %mul3A_15 : f32 to vector<256x1024xf32>
    %mul3A_17 = arith.mulf %mul3A_16, %dot_general3A_9 : vector<256x1024xf32>
    %sub3A = vector.broadcast %broadcast_in_dim3A : vector<256x1xf32> to vector<256x1024xf32>
    %sub3A_18 = arith.subf %sub3A, %mul3A_17 : vector<256x1024xf32>
    %transpose3A_19 = tpu.transpose %broadcast_in_dim3A_14, [1, 0] : vector<1024x1xf32> -> vector<1x1024xf32>
    %add3A = vector.broadcast %transpose3A_19 : vector<1x1024xf32> to vector<256x1024xf32>
    %add3A_20 = arith.addf %sub3A_18, %add3A : vector<256x1024xf32>
    %iota3A = tpu.iota {dimensions = array<i32: 1>} : vector<256x1024xi32>
    %reduce_min3A = arith.constant dense<0x7F800000> : vector<256xf32>
    %reduce_min3A_21 = vector.multi_reduction <minimumf>, %add3A_20, %reduce_min3A [1] : vector<256x1024xf32> to vector<256xf32>
    %broadcast_in_dim3A_22 = vector.shape_cast %reduce_min3A_21 : vector<256xf32> to vector<256x1xf32>
    %le3A = vector.broadcast %broadcast_in_dim3A_22 : vector<256x1xf32> to vector<256x1024xf32>
    %le3A_23 = arith.cmpf ole, %add3A_20, %le3A : vector<256x1024xf32>
    %jit3A = arith.constant 1024 : i32
    %broadcast_in_dim3A_24 = vector.broadcast %jit3A : i32 to vector<256x1024xi32>
    %select_n3A = arith.select %le3A_23, %iota3A, %broadcast_in_dim3A_24 : vector<256x1024xi1>, vector<256x1024xi32>
    %reduce_min3A_25 = arith.constant dense<2147483647> : vector<256xi32>
    %reduce_min3A_26 = vector.multi_reduction <minsi>, %select_n3A, %reduce_min3A_25 [1] : vector<256x1024xi32> to vector<256xi32>
    %swap3A = arith.constant 0 : index
    %swap3A_27 = arith.constant 0 : index
    %swap3A_28 = arith.constant 0 : index
    %swap3A_29 = vector.load %arg4[%swap3A, %swap3A_27, %swap3A_28] : memref<1x256x16xi32, #tpu.memory_space<vmem>>, vector<1x256x1xi32>
    %swap3A_30 = vector.shape_cast %swap3A_29 : vector<1x256x1xi32> to vector<256xi32>
    %swap3A_31 = vector.shape_cast %reduce_min3A_26 : vector<256xi32> to vector<1x256x1xi32>
    tpu.vector_store %arg4[%swap3A, %swap3A_27, %swap3A_28], %swap3A_31 {strides = array<i32>} : memref<1x256x16xi32, #tpu.memory_space<vmem>>, vector<1x256x1xi32>,
    %broadcast_in_dim3A_32 = vector.shape_cast %reduce_min3A_26 : vector<256xi32> to vector<256x1xi32>
    %eq3A = vector.broadcast %broadcast_in_dim3A_32 : vector<256x1xi32> to vector<256x1024xi32>
    %eq3A_33 = arith.cmpi eq, %iota3A, %eq3A : vector<256x1024xi32>
    %jit3A_34 = arith.constant 1.000000e+30 : f32
    %broadcast_in_dim3A_35 = vector.broadcast %jit3A_34 : f32 to vector<256x1024xf32>
    %select_n3A_36 = arith.select %eq3A_33, %broadcast_in_dim3A_35, %add3A_20 : vector<256x1024xi1>, vector<256x1024xf32>
    %reduce_min3A_37 = arith.constant dense<0x7F800000> : vector<256xf32>
    %reduce_min3A_38 = vector.multi_reduction <minimumf>, %select_n3A_36, %reduce_min3A_37 [1] : vector<256x1024xf32> to vector<256xf32>
    %broadcast_in_dim3A_39 = vector.shape_cast %reduce_min3A_38 : vector<256xf32> to vector<256x1xf32>
    %le3A_40 = vector.broadcast %broadcast_in_dim3A_39 : vector<256x1xf32> to vector<256x1024xf32>
    %le3A_41 = arith.cmpf ole, %select_n3A_36, %le3A_40 : vector<256x1024xf32>
    %jit3A_42 = arith.constant 1024 : i32
    %broadcast_in_dim3A_43 = vector.broadcast %jit3A_42 : i32 to vector<256x1024xi32>
    %select_n3A_44 = arith.select %le3A_41, %iota3A, %broadcast_in_dim3A_43 : vector<256x1024xi1>, vector<256x1024xi32>
    %reduce_min3A_45 = arith.constant dense<2147483647> : vector<256xi32>
    %reduce_min3A_46 = vector.multi_reduction <minsi>, %select_n3A_44, %reduce_min3A_45 [1] : vector<256x1024xi32> to vector<256xi32>
    %swap3A_47 = arith.constant 0 : index
    %swap3A_48 = arith.constant 0 : index
    %swap3A_49 = arith.constant 1 : index
    %swap3A_50 = vector.load %arg4[%swap3A_47, %swap3A_48, %swap3A_49] : memref<1x256x16xi32, #tpu.memory_space<vmem>>, vector<1x256x1xi32>
    %swap3A_51 = vector.shape_cast %swap3A_50 : vector<1x256x1xi32> to vector<256xi32>
    %swap3A_52 = vector.shape_cast %reduce_min3A_46 : vector<256xi32> to vector<1x256x1xi32>
    tpu.vector_store %arg4[%swap3A_47, %swap3A_48, %swap3A_49], %swap3A_52 {strides = array<i32>} : memref<1x256x16xi32, #tpu.memory_space<vmem>>, vector<1x256x1xi32>,
    %broadcast_in_dim3A_53 = vector.shape_cast %reduce_min3A_46 : vector<256xi32> to vector<256x1xi32>
    %eq3A_54 = vector.broadcast %broadcast_in_dim3A_53 : vector<256x1xi32> to vector<256x1024xi32>
    %eq3A_55 = arith.cmpi eq, %iota3A, %eq3A_54 : vector<256x1024xi32>
    %jit3A_56 = arith.constant 1.000000e+30 : f32
    %broadcast_in_dim3A_57 = vector.broadcast %jit3A_56 : f32 to vector<256x1024xf32>
    %select_n3A_58 = arith.select %eq3A_55, %broadcast_in_dim3A_57, %select_n3A_36 : vector<256x1024xi1>, vector<256x1024xf32>
    %reduce_min3A_59 = arith.constant dense<0x7F800000> : vector<256xf32>
    %reduce_min3A_60 = vector.multi_reduction <minimumf>, %select_n3A_58, %reduce_min3A_59 [1] : vector<256x1024xf32> to vector<256xf32>
    %broadcast_in_dim3A_61 = vector.shape_cast %reduce_min3A_60 : vector<256xf32> to vector<256x1xf32>
    %le3A_62 = vector.broadcast %broadcast_in_dim3A_61 : vector<256x1xf32> to vector<256x1024xf32>
    %le3A_63 = arith.cmpf ole, %select_n3A_58, %le3A_62 : vector<256x1024xf32>
    %jit3A_64 = arith.constant 1024 : i32
    %broadcast_in_dim3A_65 = vector.broadcast %jit3A_64 : i32 to vector<256x1024xi32>
    %select_n3A_66 = arith.select %le3A_63, %iota3A, %broadcast_in_dim3A_65 : vector<256x1024xi1>, vector<256x1024xi32>
    %reduce_min3A_67 = arith.constant dense<2147483647> : vector<256xi32>
    %reduce_min3A_68 = vector.multi_reduction <minsi>, %select_n3A_66, %reduce_min3A_67 [1] : vector<256x1024xi32> to vector<256xi32>
    %swap3A_69 = arith.constant 0 : index
    %swap3A_70 = arith.constant 0 : index
    %swap3A_71 = arith.constant 2 : index
    %swap3A_72 = vector.load %arg4[%swap3A_69, %swap3A_70, %swap3A_71] : memref<1x256x16xi32, #tpu.memory_space<vmem>>, vector<1x256x1xi32>
    %swap3A_73 = vector.shape_cast %swap3A_72 : vector<1x256x1xi32> to vector<256xi32>
    %swap3A_74 = vector.shape_cast %reduce_min3A_68 : vector<256xi32> to vector<1x256x1xi32>
    tpu.vector_store %arg4[%swap3A_69, %swap3A_70, %swap3A_71], %swap3A_74 {strides = array<i32>} : memref<1x256x16xi32, #tpu.memory_space<vmem>>, vector<1x256x1xi32>,
    %broadcast_in_dim3A_75 = vector.shape_cast %reduce_min3A_68 : vector<256xi32> to vector<256x1xi32>
    %eq3A_76 = vector.broadcast %broadcast_in_dim3A_75 : vector<256x1xi32> to vector<256x1024xi32>
    %eq3A_77 = arith.cmpi eq, %iota3A, %eq3A_76 : vector<256x1024xi32>
    %jit3A_78 = arith.constant 1.000000e+30 : f32
    %broadcast_in_dim3A_79 = vector.broadcast %jit3A_78 : f32 to vector<256x1024xf32>
    %select_n3A_80 = arith.select %eq3A_77, %broadcast_in_dim3A_79, %select_n3A_58 : vector<256x1024xi1>, vector<256x1024xf32>
    %reduce_min3A_81 = arith.constant dense<0x7F800000> : vector<256xf32>
    %reduce_min3A_82 = vector.multi_reduction <minimumf>, %select_n3A_80, %reduce_min3A_81 [1] : vector<256x1024xf32> to vector<256xf32>
    %broadcast_in_dim3A_83 = vector.shape_cast %reduce_min3A_82 : vector<256xf32> to vector<256x1xf32>
    %le3A_84 = vector.broadcast %broadcast_in_dim3A_83 : vector<256x1xf32> to vector<256x1024xf32>
    %le3A_85 = arith.cmpf ole, %select_n3A_80, %le3A_84 : vector<256x1024xf32>
    %jit3A_86 = arith.constant 1024 : i32
    %broadcast_in_dim3A_87 = vector.broadcast %jit3A_86 : i32 to vector<256x1024xi32>
    %select_n3A_88 = arith.select %le3A_85, %iota3A, %broadcast_in_dim3A_87 : vector<256x1024xi1>, vector<256x1024xi32>
    %reduce_min3A_89 = arith.constant dense<2147483647> : vector<256xi32>
    %reduce_min3A_90 = vector.multi_reduction <minsi>, %select_n3A_88, %reduce_min3A_89 [1] : vector<256x1024xi32> to vector<256xi32>
    %swap3A_91 = arith.constant 0 : index
    %swap3A_92 = arith.constant 0 : index
    %swap3A_93 = arith.constant 3 : index
    %swap3A_94 = vector.load %arg4[%swap3A_91, %swap3A_92, %swap3A_93] : memref<1x256x16xi32, #tpu.memory_space<vmem>>, vector<1x256x1xi32>
    %swap3A_95 = vector.shape_cast %swap3A_94 : vector<1x256x1xi32> to vector<256xi32>
    %swap3A_96 = vector.shape_cast %reduce_min3A_90 : vector<256xi32> to vector<1x256x1xi32>
    tpu.vector_store %arg4[%swap3A_91, %swap3A_92, %swap3A_93], %swap3A_96 {strides = array<i32>} : memref<1x256x16xi32, #tpu.memory_space<vmem>>, vector<1x256x1xi32>,
    %broadcast_in_dim3A_97 = vector.shape_cast %reduce_min3A_90 : vector<256xi32> to vector<256x1xi32>
    %eq3A_98 = vector.broadcast %broadcast_in_dim3A_97 : vector<256x1xi32> to vector<256x1024xi32>
    %eq3A_99 = arith.cmpi eq, %iota3A, %eq3A_98 : vector<256x1024xi32>
    %jit3A_100 = arith.constant 1.000000e+30 : f32
    %broadcast_in_dim3A_101 = vector.broadcast %jit3A_100 : f32 to vector<256x1024xf32>
    %select_n3A_102 = arith.select %eq3A_99, %broadcast_in_dim3A_101, %select_n3A_80 : vector<256x1024xi1>, vector<256x1024xf32>
    %reduce_min3A_103 = arith.constant dense<0x7F800000> : vector<256xf32>
    %reduce_min3A_104 = vector.multi_reduction <minimumf>, %select_n3A_102, %reduce_min3A_103 [1] : vector<256x1024xf32> to vector<256xf32>
    %broadcast_in_dim3A_105 = vector.shape_cast %reduce_min3A_104 : vector<256xf32> to vector<256x1xf32>
    %le3A_106 = vector.broadcast %broadcast_in_dim3A_105 : vector<256x1xf32> to vector<256x1024xf32>
    %le3A_107 = arith.cmpf ole, %select_n3A_102, %le3A_106 : vector<256x1024xf32>
    %jit3A_108 = arith.constant 1024 : i32
    %broadcast_in_dim3A_109 = vector.broadcast %jit3A_108 : i32 to vector<256x1024xi32>
    %select_n3A_110 = arith.select %le3A_107, %iota3A, %broadcast_in_dim3A_109 : vector<256x1024xi1>, vector<256x1024xi32>
    %reduce_min3A_111 = arith.constant dense<2147483647> : vector<256xi32>
    %reduce_min3A_112 = vector.multi_reduction <minsi>, %select_n3A_110, %reduce_min3A_111 [1] : vector<256x1024xi32> to vector<256xi32>
    %swap3A_113 = arith.constant 0 : index
    %swap3A_114 = arith.constant 0 : index
    %swap3A_115 = arith.constant 4 : index
    %swap3A_116 = vector.load %arg4[%swap3A_113, %swap3A_114, %swap3A_115] : memref<1x256x16xi32, #tpu.memory_space<vmem>>, vector<1x256x1xi32>
    %swap3A_117 = vector.shape_cast %swap3A_116 : vector<1x256x1xi32> to vector<256xi32>
    %swap3A_118 = vector.shape_cast %reduce_min3A_112 : vector<256xi32> to vector<1x256x1xi32>
    tpu.vector_store %arg4[%swap3A_113, %swap3A_114, %swap3A_115], %swap3A_118 {strides = array<i32>} : memref<1x256x16xi32, #tpu.memory_space<vmem>>, vector<1x256x1xi32>,
    %broadcast_in_dim3A_119 = vector.shape_cast %reduce_min3A_112 : vector<256xi32> to vector<256x1xi32>
    %eq3A_120 = vector.broadcast %broadcast_in_dim3A_119 : vector<256x1xi32> to vector<256x1024xi32>
    %eq3A_121 = arith.cmpi eq, %iota3A, %eq3A_120 : vector<256x1024xi32>
    %jit3A_122 = arith.constant 1.000000e+30 : f32
    %broadcast_in_dim3A_123 = vector.broadcast %jit3A_122 : f32 to vector<256x1024xf32>
    %select_n3A_124 = arith.select %eq3A_121, %broadcast_in_dim3A_123, %select_n3A_102 : vector<256x1024xi1>, vector<256x1024xf32>
    %reduce_min3A_125 = arith.constant dense<0x7F800000> : vector<256xf32>
    %reduce_min3A_126 = vector.multi_reduction <minimumf>, %select_n3A_124, %reduce_min3A_125 [1] : vector<256x1024xf32> to vector<256xf32>
    %broadcast_in_dim3A_127 = vector.shape_cast %reduce_min3A_126 : vector<256xf32> to vector<256x1xf32>
    %le3A_128 = vector.broadcast %broadcast_in_dim3A_127 : vector<256x1xf32> to vector<256x1024xf32>
    %le3A_129 = arith.cmpf ole, %select_n3A_124, %le3A_128 : vector<256x1024xf32>
    %jit3A_130 = arith.constant 1024 : i32
    %broadcast_in_dim3A_131 = vector.broadcast %jit3A_130 : i32 to vector<256x1024xi32>
    %select_n3A_132 = arith.select %le3A_129, %iota3A, %broadcast_in_dim3A_131 : vector<256x1024xi1>, vector<256x1024xi32>
    %reduce_min3A_133 = arith.constant dense<2147483647> : vector<256xi32>
    %reduce_min3A_134 = vector.multi_reduction <minsi>, %select_n3A_132, %reduce_min3A_133 [1] : vector<256x1024xi32> to vector<256xi32>
    %swap3A_135 = arith.constant 0 : index
    %swap3A_136 = arith.constant 0 : index
    %swap3A_137 = arith.constant 5 : index
    %swap3A_138 = vector.load %arg4[%swap3A_135, %swap3A_136, %swap3A_137] : memref<1x256x16xi32, #tpu.memory_space<vmem>>, vector<1x256x1xi32>
    %swap3A_139 = vector.shape_cast %swap3A_138 : vector<1x256x1xi32> to vector<256xi32>
    %swap3A_140 = vector.shape_cast %reduce_min3A_134 : vector<256xi32> to vector<1x256x1xi32>
    tpu.vector_store %arg4[%swap3A_135, %swap3A_136, %swap3A_137], %swap3A_140 {strides = array<i32>} : memref<1x256x16xi32, #tpu.memory_space<vmem>>, vector<1x256x1xi32>,
    %broadcast_in_dim3A_141 = vector.shape_cast %reduce_min3A_134 : vector<256xi32> to vector<256x1xi32>
    %eq3A_142 = vector.broadcast %broadcast_in_dim3A_141 : vector<256x1xi32> to vector<256x1024xi32>
    %eq3A_143 = arith.cmpi eq, %iota3A, %eq3A_142 : vector<256x1024xi32>
    %jit3A_144 = arith.constant 1.000000e+30 : f32
    %broadcast_in_dim3A_145 = vector.broadcast %jit3A_144 : f32 to vector<256x1024xf32>
    %select_n3A_146 = arith.select %eq3A_143, %broadcast_in_dim3A_145, %select_n3A_124 : vector<256x1024xi1>, vector<256x1024xf32>
    %reduce_min3A_147 = arith.constant dense<0x7F800000> : vector<256xf32>
    %reduce_min3A_148 = vector.multi_reduction <minimumf>, %select_n3A_146, %reduce_min3A_147 [1] : vector<256x1024xf32> to vector<256xf32>
    %broadcast_in_dim3A_149 = vector.shape_cast %reduce_min3A_148 : vector<256xf32> to vector<256x1xf32>
    %le3A_150 = vector.broadcast %broadcast_in_dim3A_149 : vector<256x1xf32> to vector<256x1024xf32>
    %le3A_151 = arith.cmpf ole, %select_n3A_146, %le3A_150 : vector<256x1024xf32>
    %jit3A_152 = arith.constant 1024 : i32
    %broadcast_in_dim3A_153 = vector.broadcast %jit3A_152 : i32 to vector<256x1024xi32>
    %select_n3A_154 = arith.select %le3A_151, %iota3A, %broadcast_in_dim3A_153 : vector<256x1024xi1>, vector<256x1024xi32>
    %reduce_min3A_155 = arith.constant dense<2147483647> : vector<256xi32>
    %reduce_min3A_156 = vector.multi_reduction <minsi>, %select_n3A_154, %reduce_min3A_155 [1] : vector<256x1024xi32> to vector<256xi32>
    %swap3A_157 = arith.constant 0 : index
    %swap3A_158 = arith.constant 0 : index
    %swap3A_159 = arith.constant 6 : index
    %swap3A_160 = vector.load %arg4[%swap3A_157, %swap3A_158, %swap3A_159] : memref<1x256x16xi32, #tpu.memory_space<vmem>>, vector<1x256x1xi32>
    %swap3A_161 = vector.shape_cast %swap3A_160 : vector<1x256x1xi32> to vector<256xi32>
    %swap3A_162 = vector.shape_cast %reduce_min3A_156 : vector<256xi32> to vector<1x256x1xi32>
    tpu.vector_store %arg4[%swap3A_157, %swap3A_158, %swap3A_159], %swap3A_162 {strides = array<i32>} : memref<1x256x16xi32, #tpu.memory_space<vmem>>, vector<1x256x1xi32>,
    %broadcast_in_dim3A_163 = vector.shape_cast %reduce_min3A_156 : vector<256xi32> to vector<256x1xi32>
    %eq3A_164 = vector.broadcast %broadcast_in_dim3A_163 : vector<256x1xi32> to vector<256x1024xi32>
    %eq3A_165 = arith.cmpi eq, %iota3A, %eq3A_164 : vector<256x1024xi32>
    %jit3A_166 = arith.constant 1.000000e+30 : f32
    %broadcast_in_dim3A_167 = vector.broadcast %jit3A_166 : f32 to vector<256x1024xf32>
    %select_n3A_168 = arith.select %eq3A_165, %broadcast_in_dim3A_167, %select_n3A_146 : vector<256x1024xi1>, vector<256x1024xf32>
    %reduce_min3A_169 = arith.constant dense<0x7F800000> : vector<256xf32>
    %reduce_min3A_170 = vector.multi_reduction <minimumf>, %select_n3A_168, %reduce_min3A_169 [1] : vector<256x1024xf32> to vector<256xf32>
    %broadcast_in_dim3A_171 = vector.shape_cast %reduce_min3A_170 : vector<256xf32> to vector<256x1xf32>
    %le3A_172 = vector.broadcast %broadcast_in_dim3A_171 : vector<256x1xf32> to vector<256x1024xf32>
    %le3A_173 = arith.cmpf ole, %select_n3A_168, %le3A_172 : vector<256x1024xf32>
    %jit3A_174 = arith.constant 1024 : i32
    %broadcast_in_dim3A_175 = vector.broadcast %jit3A_174 : i32 to vector<256x1024xi32>
    %select_n3A_176 = arith.select %le3A_173, %iota3A, %broadcast_in_dim3A_175 : vector<256x1024xi1>, vector<256x1024xi32>
    %reduce_min3A_177 = arith.constant dense<2147483647> : vector<256xi32>
    %reduce_min3A_178 = vector.multi_reduction <minsi>, %select_n3A_176, %reduce_min3A_177 [1] : vector<256x1024xi32> to vector<256xi32>
    %swap3A_179 = arith.constant 0 : index
    %swap3A_180 = arith.constant 0 : index
    %swap3A_181 = arith.constant 7 : index
    %swap3A_182 = vector.load %arg4[%swap3A_179, %swap3A_180, %swap3A_181] : memref<1x256x16xi32, #tpu.memory_space<vmem>>, vector<1x256x1xi32>
    %swap3A_183 = vector.shape_cast %swap3A_182 : vector<1x256x1xi32> to vector<256xi32>
    %swap3A_184 = vector.shape_cast %reduce_min3A_178 : vector<256xi32> to vector<1x256x1xi32>
    tpu.vector_store %arg4[%swap3A_179, %swap3A_180, %swap3A_181], %swap3A_184 {strides = array<i32>} : memref<1x256x16xi32, #tpu.memory_space<vmem>>, vector<1x256x1xi32>,
    %broadcast_in_dim3A_185 = vector.shape_cast %reduce_min3A_178 : vector<256xi32> to vector<256x1xi32>
    %eq3A_186 = vector.broadcast %broadcast_in_dim3A_185 : vector<256x1xi32> to vector<256x1024xi32>
    %eq3A_187 = arith.cmpi eq, %iota3A, %eq3A_186 : vector<256x1024xi32>
    %jit3A_188 = arith.constant 1.000000e+30 : f32
    %broadcast_in_dim3A_189 = vector.broadcast %jit3A_188 : f32 to vector<256x1024xf32>
    %select_n3A_190 = arith.select %eq3A_187, %broadcast_in_dim3A_189, %select_n3A_168 : vector<256x1024xi1>, vector<256x1024xf32>
    %reduce_min3A_191 = arith.constant dense<0x7F800000> : vector<256xf32>
    %reduce_min3A_192 = vector.multi_reduction <minimumf>, %select_n3A_190, %reduce_min3A_191 [1] : vector<256x1024xf32> to vector<256xf32>
    %broadcast_in_dim3A_193 = vector.shape_cast %reduce_min3A_192 : vector<256xf32> to vector<256x1xf32>
    %le3A_194 = vector.broadcast %broadcast_in_dim3A_193 : vector<256x1xf32> to vector<256x1024xf32>
    %le3A_195 = arith.cmpf ole, %select_n3A_190, %le3A_194 : vector<256x1024xf32>
    %jit3A_196 = arith.constant 1024 : i32
    %broadcast_in_dim3A_197 = vector.broadcast %jit3A_196 : i32 to vector<256x1024xi32>
    %select_n3A_198 = arith.select %le3A_195, %iota3A, %broadcast_in_dim3A_197 : vector<256x1024xi1>, vector<256x1024xi32>
    %reduce_min3A_199 = arith.constant dense<2147483647> : vector<256xi32>
    %reduce_min3A_200 = vector.multi_reduction <minsi>, %select_n3A_198, %reduce_min3A_199 [1] : vector<256x1024xi32> to vector<256xi32>
    %swap3A_201 = arith.constant 0 : index
    %swap3A_202 = arith.constant 0 : index
    %swap3A_203 = arith.constant 8 : index
    %swap3A_204 = vector.load %arg4[%swap3A_201, %swap3A_202, %swap3A_203] : memref<1x256x16xi32, #tpu.memory_space<vmem>>, vector<1x256x1xi32>
    %swap3A_205 = vector.shape_cast %swap3A_204 : vector<1x256x1xi32> to vector<256xi32>
    %swap3A_206 = vector.shape_cast %reduce_min3A_200 : vector<256xi32> to vector<1x256x1xi32>
    tpu.vector_store %arg4[%swap3A_201, %swap3A_202, %swap3A_203], %swap3A_206 {strides = array<i32>} : memref<1x256x16xi32, #tpu.memory_space<vmem>>, vector<1x256x1xi32>,
    %broadcast_in_dim3A_207 = vector.shape_cast %reduce_min3A_200 : vector<256xi32> to vector<256x1xi32>
    %eq3A_208 = vector.broadcast %broadcast_in_dim3A_207 : vector<256x1xi32> to vector<256x1024xi32>
    %eq3A_209 = arith.cmpi eq, %iota3A, %eq3A_208 : vector<256x1024xi32>
    %jit3A_210 = arith.constant 1.000000e+30 : f32
    %broadcast_in_dim3A_211 = vector.broadcast %jit3A_210 : f32 to vector<256x1024xf32>
    %select_n3A_212 = arith.select %eq3A_209, %broadcast_in_dim3A_211, %select_n3A_190 : vector<256x1024xi1>, vector<256x1024xf32>
    %reduce_min3A_213 = arith.constant dense<0x7F800000> : vector<256xf32>
    %reduce_min3A_214 = vector.multi_reduction <minimumf>, %select_n3A_212, %reduce_min3A_213 [1] : vector<256x1024xf32> to vector<256xf32>
    %broadcast_in_dim3A_215 = vector.shape_cast %reduce_min3A_214 : vector<256xf32> to vector<256x1xf32>
    %le3A_216 = vector.broadcast %broadcast_in_dim3A_215 : vector<256x1xf32> to vector<256x1024xf32>
    %le3A_217 = arith.cmpf ole, %select_n3A_212, %le3A_216 : vector<256x1024xf32>
    %jit3A_218 = arith.constant 1024 : i32
    %broadcast_in_dim3A_219 = vector.broadcast %jit3A_218 : i32 to vector<256x1024xi32>
    %select_n3A_220 = arith.select %le3A_217, %iota3A, %broadcast_in_dim3A_219 : vector<256x1024xi1>, vector<256x1024xi32>
    %reduce_min3A_221 = arith.constant dense<2147483647> : vector<256xi32>
    %reduce_min3A_222 = vector.multi_reduction <minsi>, %select_n3A_220, %reduce_min3A_221 [1] : vector<256x1024xi32> to vector<256xi32>
    %swap3A_223 = arith.constant 0 : index
    %swap3A_224 = arith.constant 0 : index
    %swap3A_225 = arith.constant 9 : index
    %swap3A_226 = vector.load %arg4[%swap3A_223, %swap3A_224, %swap3A_225] : memref<1x256x16xi32, #tpu.memory_space<vmem>>, vector<1x256x1xi32>
    %swap3A_227 = vector.shape_cast %swap3A_226 : vector<1x256x1xi32> to vector<256xi32>
    %swap3A_228 = vector.shape_cast %reduce_min3A_222 : vector<256xi32> to vector<1x256x1xi32>
    tpu.vector_store %arg4[%swap3A_223, %swap3A_224, %swap3A_225], %swap3A_228 {strides = array<i32>} : memref<1x256x16xi32, #tpu.memory_space<vmem>>, vector<1x256x1xi32>,
    %broadcast_in_dim3A_229 = vector.shape_cast %reduce_min3A_222 : vector<256xi32> to vector<256x1xi32>
    %eq3A_230 = vector.broadcast %broadcast_in_dim3A_229 : vector<256x1xi32> to vector<256x1024xi32>
    %eq3A_231 = arith.cmpi eq, %iota3A, %eq3A_230 : vector<256x1024xi32>
    %jit3A_232 = arith.constant 1.000000e+30 : f32
    %broadcast_in_dim3A_233 = vector.broadcast %jit3A_232 : f32 to vector<256x1024xf32>
    %select_n3A_234 = arith.select %eq3A_231, %broadcast_in_dim3A_233, %select_n3A_212 : vector<256x1024xi1>, vector<256x1024xf32>
    %reduce_min3A_235 = arith.constant dense<0x7F800000> : vector<256xf32>
    %reduce_min3A_236 = vector.multi_reduction <minimumf>, %select_n3A_234, %reduce_min3A_235 [1] : vector<256x1024xf32> to vector<256xf32>
    %broadcast_in_dim3A_237 = vector.shape_cast %reduce_min3A_236 : vector<256xf32> to vector<256x1xf32>
    %le3A_238 = vector.broadcast %broadcast_in_dim3A_237 : vector<256x1xf32> to vector<256x1024xf32>
    %le3A_239 = arith.cmpf ole, %select_n3A_234, %le3A_238 : vector<256x1024xf32>
    %jit3A_240 = arith.constant 1024 : i32
    %broadcast_in_dim3A_241 = vector.broadcast %jit3A_240 : i32 to vector<256x1024xi32>
    %select_n3A_242 = arith.select %le3A_239, %iota3A, %broadcast_in_dim3A_241 : vector<256x1024xi1>, vector<256x1024xi32>
    %reduce_min3A_243 = arith.constant dense<2147483647> : vector<256xi32>
    %reduce_min3A_244 = vector.multi_reduction <minsi>, %select_n3A_242, %reduce_min3A_243 [1] : vector<256x1024xi32> to vector<256xi32>
    %swap3A_245 = arith.constant 0 : index
    %swap3A_246 = arith.constant 0 : index
    %swap3A_247 = arith.constant 10 : index
    %swap3A_248 = vector.load %arg4[%swap3A_245, %swap3A_246, %swap3A_247] : memref<1x256x16xi32, #tpu.memory_space<vmem>>, vector<1x256x1xi32>
    %swap3A_249 = vector.shape_cast %swap3A_248 : vector<1x256x1xi32> to vector<256xi32>
    %swap3A_250 = vector.shape_cast %reduce_min3A_244 : vector<256xi32> to vector<1x256x1xi32>
    tpu.vector_store %arg4[%swap3A_245, %swap3A_246, %swap3A_247], %swap3A_250 {strides = array<i32>} : memref<1x256x16xi32, #tpu.memory_space<vmem>>, vector<1x256x1xi32>,
    %broadcast_in_dim3A_251 = vector.shape_cast %reduce_min3A_244 : vector<256xi32> to vector<256x1xi32>
    %eq3A_252 = vector.broadcast %broadcast_in_dim3A_251 : vector<256x1xi32> to vector<256x1024xi32>
    %eq3A_253 = arith.cmpi eq, %iota3A, %eq3A_252 : vector<256x1024xi32>
    %jit3A_254 = arith.constant 1.000000e+30 : f32
    %broadcast_in_dim3A_255 = vector.broadcast %jit3A_254 : f32 to vector<256x1024xf32>
    %select_n3A_256 = arith.select %eq3A_253, %broadcast_in_dim3A_255, %select_n3A_234 : vector<256x1024xi1>, vector<256x1024xf32>
    %reduce_min3A_257 = arith.constant dense<0x7F800000> : vector<256xf32>
    %reduce_min3A_258 = vector.multi_reduction <minimumf>, %select_n3A_256, %reduce_min3A_257 [1] : vector<256x1024xf32> to vector<256xf32>
    %broadcast_in_dim3A_259 = vector.shape_cast %reduce_min3A_258 : vector<256xf32> to vector<256x1xf32>
    %le3A_260 = vector.broadcast %broadcast_in_dim3A_259 : vector<256x1xf32> to vector<256x1024xf32>
    %le3A_261 = arith.cmpf ole, %select_n3A_256, %le3A_260 : vector<256x1024xf32>
    %jit3A_262 = arith.constant 1024 : i32
    %broadcast_in_dim3A_263 = vector.broadcast %jit3A_262 : i32 to vector<256x1024xi32>
    %select_n3A_264 = arith.select %le3A_261, %iota3A, %broadcast_in_dim3A_263 : vector<256x1024xi1>, vector<256x1024xi32>
    %reduce_min3A_265 = arith.constant dense<2147483647> : vector<256xi32>
    %reduce_min3A_266 = vector.multi_reduction <minsi>, %select_n3A_264, %reduce_min3A_265 [1] : vector<256x1024xi32> to vector<256xi32>
    %swap3A_267 = arith.constant 0 : index
    %swap3A_268 = arith.constant 0 : index
    %swap3A_269 = arith.constant 11 : index
    %swap3A_270 = vector.load %arg4[%swap3A_267, %swap3A_268, %swap3A_269] : memref<1x256x16xi32, #tpu.memory_space<vmem>>, vector<1x256x1xi32>
    %swap3A_271 = vector.shape_cast %swap3A_270 : vector<1x256x1xi32> to vector<256xi32>
    %swap3A_272 = vector.shape_cast %reduce_min3A_266 : vector<256xi32> to vector<1x256x1xi32>
    tpu.vector_store %arg4[%swap3A_267, %swap3A_268, %swap3A_269], %swap3A_272 {strides = array<i32>} : memref<1x256x16xi32, #tpu.memory_space<vmem>>, vector<1x256x1xi32>,
    %broadcast_in_dim3A_273 = vector.shape_cast %reduce_min3A_266 : vector<256xi32> to vector<256x1xi32>
    %eq3A_274 = vector.broadcast %broadcast_in_dim3A_273 : vector<256x1xi32> to vector<256x1024xi32>
    %eq3A_275 = arith.cmpi eq, %iota3A, %eq3A_274 : vector<256x1024xi32>
    %jit3A_276 = arith.constant 1.000000e+30 : f32
    %broadcast_in_dim3A_277 = vector.broadcast %jit3A_276 : f32 to vector<256x1024xf32>
    %select_n3A_278 = arith.select %eq3A_275, %broadcast_in_dim3A_277, %select_n3A_256 : vector<256x1024xi1>, vector<256x1024xf32>
    %reduce_min3A_279 = arith.constant dense<0x7F800000> : vector<256xf32>
    %reduce_min3A_280 = vector.multi_reduction <minimumf>, %select_n3A_278, %reduce_min3A_279 [1] : vector<256x1024xf32> to vector<256xf32>
    %broadcast_in_dim3A_281 = vector.shape_cast %reduce_min3A_280 : vector<256xf32> to vector<256x1xf32>
    %le3A_282 = vector.broadcast %broadcast_in_dim3A_281 : vector<256x1xf32> to vector<256x1024xf32>
    %le3A_283 = arith.cmpf ole, %select_n3A_278, %le3A_282 : vector<256x1024xf32>
    %jit3A_284 = arith.constant 1024 : i32
    %broadcast_in_dim3A_285 = vector.broadcast %jit3A_284 : i32 to vector<256x1024xi32>
    %select_n3A_286 = arith.select %le3A_283, %iota3A, %broadcast_in_dim3A_285 : vector<256x1024xi1>, vector<256x1024xi32>
    %reduce_min3A_287 = arith.constant dense<2147483647> : vector<256xi32>
    %reduce_min3A_288 = vector.multi_reduction <minsi>, %select_n3A_286, %reduce_min3A_287 [1] : vector<256x1024xi32> to vector<256xi32>
    %swap3A_289 = arith.constant 0 : index
    %swap3A_290 = arith.constant 0 : index
    %swap3A_291 = arith.constant 12 : index
    %swap3A_292 = vector.load %arg4[%swap3A_289, %swap3A_290, %swap3A_291] : memref<1x256x16xi32, #tpu.memory_space<vmem>>, vector<1x256x1xi32>
    %swap3A_293 = vector.shape_cast %swap3A_292 : vector<1x256x1xi32> to vector<256xi32>
    %swap3A_294 = vector.shape_cast %reduce_min3A_288 : vector<256xi32> to vector<1x256x1xi32>
    tpu.vector_store %arg4[%swap3A_289, %swap3A_290, %swap3A_291], %swap3A_294 {strides = array<i32>} : memref<1x256x16xi32, #tpu.memory_space<vmem>>, vector<1x256x1xi32>,
    %broadcast_in_dim3A_295 = vector.shape_cast %reduce_min3A_288 : vector<256xi32> to vector<256x1xi32>
    %eq3A_296 = vector.broadcast %broadcast_in_dim3A_295 : vector<256x1xi32> to vector<256x1024xi32>
    %eq3A_297 = arith.cmpi eq, %iota3A, %eq3A_296 : vector<256x1024xi32>
    %jit3A_298 = arith.constant 1.000000e+30 : f32
    %broadcast_in_dim3A_299 = vector.broadcast %jit3A_298 : f32 to vector<256x1024xf32>
    %select_n3A_300 = arith.select %eq3A_297, %broadcast_in_dim3A_299, %select_n3A_278 : vector<256x1024xi1>, vector<256x1024xf32>
    %reduce_min3A_301 = arith.constant dense<0x7F800000> : vector<256xf32>
    %reduce_min3A_302 = vector.multi_reduction <minimumf>, %select_n3A_300, %reduce_min3A_301 [1] : vector<256x1024xf32> to vector<256xf32>
    %broadcast_in_dim3A_303 = vector.shape_cast %reduce_min3A_302 : vector<256xf32> to vector<256x1xf32>
    %le3A_304 = vector.broadcast %broadcast_in_dim3A_303 : vector<256x1xf32> to vector<256x1024xf32>
    %le3A_305 = arith.cmpf ole, %select_n3A_300, %le3A_304 : vector<256x1024xf32>
    %jit3A_306 = arith.constant 1024 : i32
    %broadcast_in_dim3A_307 = vector.broadcast %jit3A_306 : i32 to vector<256x1024xi32>
    %select_n3A_308 = arith.select %le3A_305, %iota3A, %broadcast_in_dim3A_307 : vector<256x1024xi1>, vector<256x1024xi32>
    %reduce_min3A_309 = arith.constant dense<2147483647> : vector<256xi32>
    %reduce_min3A_310 = vector.multi_reduction <minsi>, %select_n3A_308, %reduce_min3A_309 [1] : vector<256x1024xi32> to vector<256xi32>
    %swap3A_311 = arith.constant 0 : index
    %swap3A_312 = arith.constant 0 : index
    %swap3A_313 = arith.constant 13 : index
    %swap3A_314 = vector.load %arg4[%swap3A_311, %swap3A_312, %swap3A_313] : memref<1x256x16xi32, #tpu.memory_space<vmem>>, vector<1x256x1xi32>
    %swap3A_315 = vector.shape_cast %swap3A_314 : vector<1x256x1xi32> to vector<256xi32>
    %swap3A_316 = vector.shape_cast %reduce_min3A_310 : vector<256xi32> to vector<1x256x1xi32>
    tpu.vector_store %arg4[%swap3A_311, %swap3A_312, %swap3A_313], %swap3A_316 {strides = array<i32>} : memref<1x256x16xi32, #tpu.memory_space<vmem>>, vector<1x256x1xi32>,
    %broadcast_in_dim3A_317 = vector.shape_cast %reduce_min3A_310 : vector<256xi32> to vector<256x1xi32>
    %eq3A_318 = vector.broadcast %broadcast_in_dim3A_317 : vector<256x1xi32> to vector<256x1024xi32>
    %eq3A_319 = arith.cmpi eq, %iota3A, %eq3A_318 : vector<256x1024xi32>
    %jit3A_320 = arith.constant 1.000000e+30 : f32
    %broadcast_in_dim3A_321 = vector.broadcast %jit3A_320 : f32 to vector<256x1024xf32>
    %select_n3A_322 = arith.select %eq3A_319, %broadcast_in_dim3A_321, %select_n3A_300 : vector<256x1024xi1>, vector<256x1024xf32>
    %reduce_min3A_323 = arith.constant dense<0x7F800000> : vector<256xf32>
    %reduce_min3A_324 = vector.multi_reduction <minimumf>, %select_n3A_322, %reduce_min3A_323 [1] : vector<256x1024xf32> to vector<256xf32>
    %broadcast_in_dim3A_325 = vector.shape_cast %reduce_min3A_324 : vector<256xf32> to vector<256x1xf32>
    %le3A_326 = vector.broadcast %broadcast_in_dim3A_325 : vector<256x1xf32> to vector<256x1024xf32>
    %le3A_327 = arith.cmpf ole, %select_n3A_322, %le3A_326 : vector<256x1024xf32>
    %jit3A_328 = arith.constant 1024 : i32
    %broadcast_in_dim3A_329 = vector.broadcast %jit3A_328 : i32 to vector<256x1024xi32>
    %select_n3A_330 = arith.select %le3A_327, %iota3A, %broadcast_in_dim3A_329 : vector<256x1024xi1>, vector<256x1024xi32>
    %reduce_min3A_331 = arith.constant dense<2147483647> : vector<256xi32>
    %reduce_min3A_332 = vector.multi_reduction <minsi>, %select_n3A_330, %reduce_min3A_331 [1] : vector<256x1024xi32> to vector<256xi32>
    %swap3A_333 = arith.constant 0 : index
    %swap3A_334 = arith.constant 0 : index
    %swap3A_335 = arith.constant 14 : index
    %swap3A_336 = vector.load %arg4[%swap3A_333, %swap3A_334, %swap3A_335] : memref<1x256x16xi32, #tpu.memory_space<vmem>>, vector<1x256x1xi32>
    %swap3A_337 = vector.shape_cast %swap3A_336 : vector<1x256x1xi32> to vector<256xi32>
    %swap3A_338 = vector.shape_cast %reduce_min3A_332 : vector<256xi32> to vector<1x256x1xi32>
    tpu.vector_store %arg4[%swap3A_333, %swap3A_334, %swap3A_335], %swap3A_338 {strides = array<i32>} : memref<1x256x16xi32, #tpu.memory_space<vmem>>, vector<1x256x1xi32>,
    %broadcast_in_dim3A_339 = vector.shape_cast %reduce_min3A_332 : vector<256xi32> to vector<256x1xi32>
    %eq3A_340 = vector.broadcast %broadcast_in_dim3A_339 : vector<256x1xi32> to vector<256x1024xi32>
    %eq3A_341 = arith.cmpi eq, %iota3A, %eq3A_340 : vector<256x1024xi32>
    %jit3A_342 = arith.constant 1.000000e+30 : f32
    %broadcast_in_dim3A_343 = vector.broadcast %jit3A_342 : f32 to vector<256x1024xf32>
    %select_n3A_344 = arith.select %eq3A_341, %broadcast_in_dim3A_343, %select_n3A_322 : vector<256x1024xi1>, vector<256x1024xf32>
    %reduce_min3A_345 = arith.constant dense<0x7F800000> : vector<256xf32>
    %reduce_min3A_346 = vector.multi_reduction <minimumf>, %select_n3A_344, %reduce_min3A_345 [1] : vector<256x1024xf32> to vector<256xf32>
    %broadcast_in_dim3A_347 = vector.shape_cast %reduce_min3A_346 : vector<256xf32> to vector<256x1xf32>
    %le3A_348 = vector.broadcast %broadcast_in_dim3A_347 : vector<256x1xf32> to vector<256x1024xf32>
    %le3A_349 = arith.cmpf ole, %select_n3A_344, %le3A_348 : vector<256x1024xf32>
    %jit3A_350 = arith.constant 1024 : i32
    %broadcast_in_dim3A_351 = vector.broadcast %jit3A_350 : i32 to vector<256x1024xi32>
    %select_n3A_352 = arith.select %le3A_349, %iota3A, %broadcast_in_dim3A_351 : vector<256x1024xi1>, vector<256x1024xi32>
    %reduce_min3A_353 = arith.constant dense<2147483647> : vector<256xi32>
    %reduce_min3A_354 = vector.multi_reduction <minsi>, %select_n3A_352, %reduce_min3A_353 [1] : vector<256x1024xi32> to vector<256xi32>
    %swap3A_355 = arith.constant 0 : index
    %swap3A_356 = arith.constant 0 : index
    %swap3A_357 = arith.constant 15 : index
    %swap3A_358 = vector.load %arg4[%swap3A_355, %swap3A_356, %swap3A_357] : memref<1x256x16xi32, #tpu.memory_space<vmem>>, vector<1x256x1xi32>
    %swap3A_359 = vector.shape_cast %swap3A_358 : vector<1x256x1xi32> to vector<256xi32>
    %swap3A_360 = vector.shape_cast %reduce_min3A_354 : vector<256xi32> to vector<1x256x1xi32>
    tpu.vector_store %arg4[%swap3A_355, %swap3A_356, %swap3A_357], %swap3A_360 {strides = array<i32>} : memref<1x256x16xi32, #tpu.memory_space<vmem>>, vector<1x256x1xi32>,
    return
  }
  func.func @transform_0(%arg0: i32, %arg1: i32) -> (i32, i32, i32) {
    %c0_i32 = arith.constant 0 : i32
    %c0_i32_0 = arith.constant 0 : i32
    return %arg0, %arg1, %c0_i32 : i32, i32, i32
  }
  func.func @transform_1(%arg0: i32, %arg1: i32) -> (i32, i32, i32) {
    %c0_i32 = arith.constant 0 : i32
    %c0_i32_0 = arith.constant 0 : i32
    %c0_i32_1 = arith.constant 0 : i32
    return %arg0, %c0_i32, %c0_i32_0 : i32, i32, i32
  }
  func.func @transform_2(%arg0: i32, %arg1: i32) -> (i32, i32, i32) {
    %c0_i32 = arith.constant 0 : i32
    %c0_i32_0 = arith.constant 0 : i32
    return %arg0, %arg1, %c0_i32 : i32, i32, i32
  }
}

module attributes {stable_mosaic.version = 14 : i64} {
  func.func @_mm_kernel(%arg0: i32, %arg1: i32, %arg2: memref<128x128xf32, #tpu.memory_space<vmem>>, %arg3: memref<1x128x4096xf32, #tpu.memory_space<vmem>>, %arg4: memref<1x128x4096xf32, #tpu.memory_space<vmem>>) attributes {dimension_semantics = [#tpu.dimension_semantics<arbitrary>, #tpu.dimension_semantics<arbitrary>], iteration_bounds = array<i64: 8, 1>, scalar_prefetch = 0 : i64, scratch_operands = 0 : i64, tpu.core_type = #tpu.core_type<tc>, window_params = [{pipeline_mode = #tpu.pipeline_mode<synchronous>, transform_indices = @transform_0, window_bounds = array<i64: 128, 128>}, {transform_indices = @transform_1, window_bounds = array<i64: 1, 128, 4096>}, {transform_indices = @transform_2, window_bounds = array<i64: 1, 128, 4096>}]} {
    %get3A = arith.constant 0 : index
    %get3A_0 = arith.constant 0 : index
    %get3A_1 = vector.load %arg2[%get3A, %get3A_0] : memref<128x128xf32, #tpu.memory_space<vmem>>, vector<128x128xf32>
    %get3A_2 = arith.constant 0 : index
    %get3A_3 = arith.constant 0 : index
    %get3A_4 = arith.constant 0 : index
    %get3A_5 = vector.load %arg3[%get3A_2, %get3A_3, %get3A_4] : memref<1x128x4096xf32, #tpu.memory_space<vmem>>, vector<1x128x4096xf32>
    %get3A_6 = vector.shape_cast %get3A_5 : vector<1x128x4096xf32> to vector<128x4096xf32>
    %dot_general3A = arith.constant dense<0.000000e+00> : vector<128x4096xf32>
    %dot_general3A_7 = tpu.matmul %get3A_1, %get3A_6, %dot_general3A {dimension_numbers = #tpu.dot_dimension_numbers<[1], [0], [0], [1], [0, 0, 1, 1], [], []>, transpose_lhs_hint = false} : vector<128x128xf32>, vector<128x4096xf32>, vector<128x4096xf32> -> vector<128x4096xf32>
    %swap3A = arith.constant 0 : index
    %swap3A_8 = arith.constant 0 : index
    %swap3A_9 = arith.constant 0 : index
    %swap3A_10 = vector.load %arg4[%swap3A, %swap3A_8, %swap3A_9] : memref<1x128x4096xf32, #tpu.memory_space<vmem>>, vector<1x128x4096xf32>
    %swap3A_11 = vector.shape_cast %swap3A_10 : vector<1x128x4096xf32> to vector<128x4096xf32>
    %swap3A_12 = vector.shape_cast %dot_general3A_7 : vector<128x4096xf32> to vector<1x128x4096xf32>
    tpu.vector_store %arg4[%swap3A, %swap3A_8, %swap3A_9], %swap3A_12 {strides = array<i32>} : memref<1x128x4096xf32, #tpu.memory_space<vmem>>, vector<1x128x4096xf32>,
    return
  }
  func.func @transform_0(%arg0: i32, %arg1: i32) -> (i32, i32) {
    %c0_i32 = arith.constant 0 : i32
    %c0_i32_0 = arith.constant 0 : i32
    %c0_i32_1 = arith.constant 0 : i32
    return %c0_i32, %c0_i32_0 : i32, i32
  }
  func.func @transform_1(%arg0: i32, %arg1: i32) -> (i32, i32, i32) {
    %c0_i32 = arith.constant 0 : i32
    %c0_i32_0 = arith.constant 0 : i32
    return %arg0, %c0_i32, %arg1 : i32, i32, i32
  }
  func.func @transform_2(%arg0: i32, %arg1: i32) -> (i32, i32, i32) {
    %c0_i32 = arith.constant 0 : i32
    %c0_i32_0 = arith.constant 0 : i32
    return %arg0, %c0_i32, %arg1 : i32, i32, i32
  }
}

</mosaic_0001>

<sc_bundles>
// kernel: gather_offload_async_start.1
scs
__scs_entry_jumppad:
0x0: {  	(pc) =	sbr.rel $0x88, $3  }
0x1: {  	(tag) =	ssettag $0x0;
	lr =	simm.s32 $0x1  }
0x2: {  	[smem:$0x3F92] =	sst lr;
	_ =	strace $0xD0000000  }
0x3: {  	_ = 	snop  }
0x4: {  	_ = 	snop  }
0x5: {  	_ = 	snop  }
0x6: {  	_ = 	snop  }
0x7: {  	_ = 	snop  }
__scs_overlays_trampoline_lowered:
0x8: {  	[smem:$0x3FA1] =	sst s0  }
0x9: {  	[smem:$0x3FA2] =	sst s1  }
0xa: {  	[smem:$0x3FA3] =	sst s2  }
0xb: {  	[smem:$0x3FA4] =	sst s3  }
0xc: {  	[smem:$0x3FA5] =	sst s4  }
0xd: {  	[smem:$0x3FA6] =	sst s5  }
0xe: {  	[smem:$0x3FA7] =	sst s6  }
0xf: {  	[smem:$0x3FA8] =	sst s7  }
0x10: {  	[smem:$0x3FA9] =	sst s8  }
0x11: {  	[smem:$0x3FAA] =	sst s9;
	s0 =	simm.s32 @!p0 $0x0  }
0x12: {  	s1 =	sld [smem:$0x3F90];
	s0 =	simm.s32 @p0 $0x1  }
0x13: {  	[smem:$0x3FAB] =	sst s0;
	s0 =	simm.s32 @!p1 $0x0  }
0x14: {  	s2 =	sld [smem:$0x3F8F];
	s0 =	simm.s32 @p1 $0x1  }
0x15: {  	[smem:$0x3FAC] =	sst s0;
	s0 =	simm.s32 @!p2 $0x0  }
0x16: {  	s3 =	sld [smem:$0x3FDB];
	s0 =	simm.s32 @p2 $0x1  }
0x17: {  	s4 =	simm.s32 $0x1BF5;
	[smem:$0x3FAE] =	sst s0  }
0x18: {  	s0 =	sld [smem:$0x3F91];
	_ =	swait.ge [sflag:s4], $0x0  }
0x19: {  	s7 =	sld [smem:$0x3F92]  }
0x1a: {  	s8 =	sadd.s32 $0xFFFFE003, lr  }
0x1b: {  	s9 =	sadd.s32 $0xFFFFFEF7, lr;
	s5 =	simm.s32 $0xFFFFFFFF;
	p2 =	slt.u32 s8, $0xFFFFF086  }
0x1c: {  	p1 =	slt.u32 s9, $0xF7A;
	s5 =	simm.s32 @!p2 $0x0  }
0x1d: {  	s5 =	simm.s32 @p1 $0x1;
	p0 =	seq.s32 s7, s2  }
0x1e: {  	s7 =	smul.u32 @!p0 $0xF7A, s2;
	p2 =	seq.s32 @!p0 s5, $0x0  }
0x1f: {  	s9 =	smul.u32 $0xF7A, s1;
	s8 =	simm.s32 @!p0 $0x1BF5;
	p2 =	por !p2, p0  }
0x20: {  	[sflag:s8] =	ssyncset.s32 @!p0 $0xFFFFF086;
	s6 =	sadd.s32 @!p0 s3, s7;
	s7 =	simm.s32 @!p0 $0x108  }
0x21: {  	s3 =	sadd.s32 s3, s9;
	s6 =	sadd.s32 @!p0 $0x88, s6;
	s7 =	simm.s32 @p2 $0x1082  }
0x22: {  	[simem:s7], [sflag:s8] =	dma.local @!p0 [hbm:s6], $0xF7A  }
0x23: {  	s9 =	sor.u32 $0xD0000000, s2;
	s6 =	simm.s32 $0x108;
	_ =	swait.ge @!p0 [sflag:s8], $0x0  }
0x24: {  	s3 =	sadd.s32 $0x88, s3;
	s6 =	simm.s32 @!p1 $0x1082;
	[sflag:s4] =	ssyncset.s32 $0xFFFFF086  }
0x25: {  	[simem:s6], [sflag:s4] =	dma.local [hbm:s3], $0xF7A  }
0x26: {  	[smem:$0x3F92] =	sst s1;
	(tag) =	ssettag s2;
	_ =	strace s9  }
0x27: {  	s1 =	sld [smem:$0x3FA2]  }
0x28: {  	s2 =	sld [smem:$0x3FA3]  }
0x29: {  	s4 =	sld [smem:$0x3FA5]  }
0x2a: {  	p0 =	seq.s32 s5, $0x0;
	s5 =	sld [smem:$0x3FA6]  }
0x2b: {  	s6 =	sld [smem:$0x3FA7]  }
0x2c: {  	s7 =	sld [smem:$0x3FA8]  }
0x2d: {  	s3 =	simm.s32 $0x108;
	s8 =	sld [smem:$0x3FA9]  }
0x2e: {  	s3 =	simm.s32 @!p0 $0x1082;
	s9 =	sld [smem:$0x3FAA]  }
0x2f: {  	lr =	sadd.s32 s0, s3;
	s0 =	sld [smem:$0x3FA1]  }
0x30: {  	s3 =	sld [smem:$0x3FA4]  }
0x31: {  	[smem:$0x3FAD] =	sst s10  }
0x32: {  	s10 =	sld [smem:$0x3FAB];
	_ =	sdelay $0x3  }
0x33: {  	p0 =	seq.s32 s10, $0x1;
	s10 =	sld [smem:$0x3FAD];
	_ =	sdelay $0x3  }
0x34: {  	[smem:$0x3FAD] =	sst s10  }
0x35: {  	s10 =	sld [smem:$0x3FAC];
	_ =	sdelay $0x3  }
0x36: {  	p1 =	seq.s32 s10, $0x1;
	s10 =	sld [smem:$0x3FAD];
	_ =	sdelay $0x3  }
0x37: {  	[smem:$0x3FAD] =	sst s10  }
0x38: {  	s10 =	sld [smem:$0x3FAE]  }
0x39: {  	_ = 	snop;
	(pc) =	sbr.ind lr, $3  }
0x3a: {  	_ = 	snop  }
0x3b: {  	_ = 	snop  }
0x3c: {  	p2 =	seq.s32 s10, $0x1;
	s10 =	sld [smem:$0x3FAD]  }
0x3d: {  	_ =	shalt  }
0x3e: {  	_ =	shalt  }
0x3f: {  	_ =	shalt  }
0x40: {  	_ =	shalt  }
0x41: {  	_ =	shalt  }
0x42: {  	_ =	shalt  }
0x43: {  	_ =	shalt  }
0x44: {  	_ =	shalt  }
0x45: {  	_ =	shalt  }
0x46: {  	_ =	shalt  }
0x47: {  	_ =	shalt  }
0x48: {  	_ =	shalt  }
0x49: {  	_ =	shalt  }
0x4a: {  	_ =	shalt  }
0x4b: {  	_ =	shalt  }
0x4c: {  	_ =	shalt  }
0x4d: {  	_ =	shalt  }
0x4e: {  	_ =	shalt  }
0x4f: {  	_ =	shalt  }
0x50: {  	_ =	shalt  }
0x51: {  	_ =	shalt  }
0x52: {  	_ =	shalt  }
0x53: {  	_ =	shalt  }
0x54: {  	_ =	shalt  }
0x55: {  	_ =	shalt  }
0x56: {  	_ =	shalt  }
0x57: {  	_ =	shalt  }
0x58: {  	_ =	shalt  }
0x59: {  	_ =	shalt  }
0x5a: {  	_ =	shalt  }
0x5b: {  	_ =	shalt  }
0x5c: {  	_ =	shalt  }
0x5d: {  	_ =	shalt  }
0x5e: {  	_ =	shalt  }
0x5f: {  	_ =	shalt  }
0x60: {  	_ =	shalt  }
0x61: {  	_ =	shalt  }
0x62: {  	_ =	shalt  }
0x63: {  	_ =	shalt  }
0x64: {  	_ =	shalt  }
0x65: {  	_ =	shalt  }
0x66: {  	_ =	shalt  }
0x67: {  	_ =	shalt  }
0x68: {  	_ =	shalt  }
0x69: {  	_ =	shalt  }
0x6a: {  	_ =	shalt  }
0x6b: {  	_ =	shalt  }
0x6c: {  	_ =	shalt  }
0x6d: {  	_ =	shalt  }
0x6e: {  	_ =	shalt  }
0x6f: {  	_ =	shalt  }
0x70: {  	_ =	shalt  }
0x71: {  	_ =	shalt  }
0x72: {  	_ =	shalt  }
0x73: {  	_ =	shalt  }
0x74: {  	_ =	shalt  }
0x75: {  	_ =	shalt  }
0x76: {  	_ =	shalt  }
0x77: {  	_ =	shalt  }
0x78: {  	_ =	shalt  }
0x79: {  	_ =	shalt  }
0x7a: {  	_ =	shalt  }
0x7b: {  	_ =	shalt  }
0x7c: {  	_ =	shalt  }
0x7d: {  	_ =	shalt  }
0x7e: {  	_ =	shalt  }
0x7f: {  	_ =	shalt  }
0x80: {  	_ =	shalt  }
0x81: {  	_ =	shalt  }
0x82: {  	_ =	shalt  }
0x83: {  	_ =	shalt  }
0x84: {  	_ =	shalt  }
0x85: {  	_ =	shalt  }
0x86: {  	_ =	shalt  }
0x87: {  	_ =	shalt  }
.Lfunc_end0:
.L_simem_size_0:
called_computation.1_lowered:
.L_overlay_start_0:
0x88: {  	s2 =	sld [smem:$0x3FD9]  }
0x89: {  	s3 =	sld [smem:$0x3FFE];
	_ =	sdelay $0x1  }
0x8a: {  	s1 =	srdreg.scid  }
0x8b: {  	s0 =	sand.u32 $0x1, s1  }
0x8c: {  	s14 =	sshll.u32 s0, $0xA;
	s2 =	sadd.s32 s3, s2  }
0x8d: {  	s2 =	sadd.s32 s2, s14  }
0x8e: {  	[smem:$0x3FB9] =	sst s2  }
0x8f: {  	_ = 	snop  }
0x90: {  	s2 =	sld [smem:$0x3FD0];
	_ =	sdelay $0x2  }
0x91: {  	s15 =	simm.s32 $0xA;
	s4 =	simm.s32 $0x10  }
0x92: {  	[smem:s4], [sflag:s15] =	dma.local [hbm:s2], $0x1  }
0x93: {  	_ =	swait.eq [sflag:s15], $0x1  }
0x94: {  	[sflag:s15] =	ssyncset.done $0x0  }
0x95: {  	s16 =	sld [smem:$0x10];
	[sflag:s15] =	ssyncadd.s32 $0xFFFFFFFF  }
0x96: {  	s17 =	sld [smem:$0x11];
	(tm) =	ssettm $0x1  }
0x97: {  	s18 =	sld [smem:$0x3FFB];
	_ =	sdelay $0x3  }
0x98: {  	_ =	strace s18  }
0x99: {  	s4 =	sld [smem:$0x3FFC];
	_ =	sdelay $0x3  }
0x9a: {  	_ =	strace s4  }
0x9b: {  	s4 =	sld [smem:$0x3FFD];
	_ =	sdelay $0x3  }
0x9c: {  	_ =	strace s4  }
0x9d: {  	_ =	strace $0x8FFFFFFF  }
0x9e: {  	s19 =	sld [smem:$0x3FDB];
	_ =	sdelay $0x1  }
0x9f: {  	s5 =	simm.s32 $_scs_section_size  }
0xa0: {  	s6 =	simm.s32 $_size__tile_overlayer_lowered;
	s7 =	simm.s32 $_tile_overlayer_lowered  }
0xa1: {  	s22 =	simm.s32 $0x1BFF;
	s21 =	sshll.u32 s7, $0x1;
	s4 =	sadd.s32 s5, s19  }
0xa2: {  	s8 =	simm.s32 $0x0;
	s20 =	sshll.u32 s6, $0x1;
	s6 =	sadd.s32 s21, s4  }
0xa3: {  	[timem:s8], [sflag:s22] =	dma.local [hbm:s6], s20  }
0xa4: {  	_ =	swait.ge [sflag:s22], s20  }
0xa5: {  	s5 =	ssub.s32 $0x0, s20;
	[sflag:s22] =	ssyncset.done $0x0  }
0xa6: {  	[sflag:s22] =	ssyncadd.s32 s5;
	_ =	sdelay $0x1  }
0xa7: {  	s23 =	simm.s32 $0x1B8B  }
0xa8: {  	_ =	swait.ge [sflag:s23], $0x1  }
0xa9: {  	[sflag:s23] =	ssyncset.done $0x0  }
0xaa: {  	s25 =	simm.s32 $0x1B8E;
	s24 =	sld [smem:$0x3FFE];
	[sflag:s23] =	ssyncadd.s32 $0xFFFFFFFF  }
0xab: {  	s26 =	simm.s32 $execute0_lowered;
	[smem:$0x3FD2] =	sst s25  }
0xac: {  	s6 =	sshll.u32 s26, $0x1;
	_ =	strace $0x80000049;
	[dreg:$0x1] =	wrdreg $0xFFFFFFFF  }
0xad: {  	s28 =	simm.s32 $_size_execute0_lowered;
	s4 =	sadd.s32 s4, s6;
	[dreg:$0x0] =	wrdreg $0x0  }
0xae: {  	s6 =	sshll.u32 s28, $0x1;
	[dreg:$0x2] =	wrdreg s4  }
0xaf: {  	[dreg:$0x3] =	wrdreg s6  }
0xb0: {  	[dreg:$0x4] =	wrdreg $0xC0  }
0xb1: {  	_ =	task [dreg:s8], $0x5FFFF  }
0xb2: {  	[dreg:$0x1] =	wrdreg $0xFFFFFFFF  }
0xb3: {  	[dreg:$0x0] =	wrdreg $0x60  }
0xb4: {  	[dreg:$0x2] =	wrdreg s24  }
0xb5: {  	[dreg:$0x3] =	wrdreg s16  }
0xb6: {  	[dreg:$0x4] =	wrdreg s17  }
0xb7: {  	[dreg:$0x5] =	wrdreg $0x9  }
0xb8: {  	_ =	task.clear_ibuf [dreg:s8], $0x6FFFF;
	_ =	strace $0x90000049  }
0xb9: {  	s29 =	simm.s32 $0x9;
	_ =	strace $0x8000004B  }
0xba: {  	_ =	swait.ge [sflag:s29], $0x1  }
0xbb: {  	[sflag:s29] =	ssyncadd.s32 $0xFFFFFFFF  }
0xbc: {  	_ =	strace $0x9000004B  }
0xbd: {  	_ =	sfence  }
0xbe: {  	s30 =	sld [smem:$0x0];
	_ =	sdelay $0x2  }
0xbf: {  	s31 =	sshll.u32 s1, $0xD;
	s1 =	sshrl.u32 s1, $0x2  }
0xc0: {  	s3 =	sand.u32 $0x4000, s31;
	s1 =	sadd.s32 s1, s30  }
0xc1: {  	s0 =	sor.u32 s3, s0;
	s1 =	sshll.u32 s1, $0x11  }
0xc2: {  	s0 =	sor.u32 s1, s0  }
0xc3: {  	s0 =	sadd.s32 $0x8F2B, s0  }
0xc4: {  	[sflag:s0] =	ssyncadd.remote.s32 $0x1  }
0xc5: {  	_ =	sfence.sel $0xFFFF  }
0xc6: {  	[dreg:$0x0] =	wrdreg $0xFFFFFFFF;
	(pc) =	sbr.abs _section_cstart, $3  }
0xc7: {  	[dreg:$0x1] =	wrdreg $0xFFFFFFFF  }
0xc8: {  	_ =	task.clear_ibuf [dreg:s8], $0x2FFFF;
	_ =	strace $0x9FFFFFFF  }
0xc9: {  	(tm) =	ssettm $0x7FFFFFFF  }
tec
execute0_lowered:
.L_overlay_start_1:
0x0: {  	(tag) =	ssettag $0x1  }
0x1: {  	s2 =	rddreg [dreg:$0x0]  }
0x2: {  	s3 =	rddreg [dreg:$0x1]  }
0x3: {  	s4 =	rddreg [dreg:$0x2]  }
0x4: {  	s0 =	rddreg [dreg:$0x3];
	s1 =	srdreg.scid  }
0x5: {  	_ =	strace $0x8000004A;
	s5 =	simm.s32 $0x1;
	s6 =	sshll.u32 s1, $0x4  }
.Ltmp0:
0x6: {  	s1 =	stileid.u32;
	s6 =	sand.u32 $0x10, s6;
	(pc) =	sbr.rel .LBB2_1-.Ltmp0, $4  }
0x7: {  	s9 =	simm.s32 $0x3;
	s12 =	simm.s32 $0x0;
	s7 =	sor.u32 s1, s6  }
0x8: {  	[sflag:s5] =	ssyncpa.u1 $0x0;
	s6 =	simm.s32 $0x2;
	s7 =	sshll.u32 s7, $0x6  }
0x9: {  	s10 =	simm.s32 $0x0;
	[sflag:s6] =	ssyncpa.u1 $0x0;
	s8 =	sadd.s32 $0x40, s7  }
0xa: {  	vm0 =	vmmov $0xff;
	vm1 =	vcmask $0x3F20;
	[sflag:s9] =	ssyncpa.u1 $0x0;
	s9 =	simm.s32 $0x40;
	s11 =	smov.u32 s7  }
.LBB2_9:
0xb: {  	p0 =	seq.s32 s10, $0x2  }
.Ltmp1:
0xc: {  	_ = 	snop;
	(pc) =	sbr.rel @p0 .LBB2_11-.Ltmp1, $1  }
0xd: {  	_ =	sdelay $0x3  }
.LBB2_10:
0xe: {  	s12 =	sadd.s32 $0x40, s11  }
0xf: {  	s13 =	smov.u32 s7;
	p0 =	slt.s32 s12, s8  }
0x10: {  	s13 =	smov.u32 @p0 s12  }
0x11: {  	s10 =	sadd.s32 $0x1, s10;
	s12 =	smov.u32 s11;
	s11 =	smov.u32 s13  }
.LBB2_1:
0x12: {  	p0 =	sne.s32 s10, $0x0  }
.Ltmp2:
0x13: {  	_ = 	snop;
	(pc) =	sbr.rel @!p0 .LBB2_2-.Ltmp2, $1  }
0x14: {  	_ =	sdelay $0x3  }
0x15: {  	s13 =	sand.u32 $0x1, s10  }
0x16: {  	p0 =	seq.s32 s13, $0x0  }
.Ltmp3:
0x17: {  	_ = 	snop;
	(pc) =	sbr.rel @p0 .LBB2_9-.Ltmp3, $1  }
0x18: {  	_ =	sdelay $0x3  }
0x19: {  	_ =	swait.ge [sflag:s6], $0x40  }
0x1a: {  	[sflag:s6] =	ssyncset.done $0x0  }
0x1b: {  	s13 =	simm.s32 $0x0;
	[sflag:s6] =	ssyncadd.s32 $0xFFFFFFC0  }
0x1c: {  	v0 =	vld.msk [tilespmem:s13+$0x40 ss:$0x1], $0xffff;
	_ =	sdelay $0x4  }
0x1d: {  	v1 =	vshll.u32 v0, $0x4  }
0x1e: {  	vm2 =	veq.s32 v0, $0x80000000;
	v0 =	vshll.u32 v0, $0x11;
	v1 =	vand.u32 $0x1FF80, v1  }
0x1f: {  	v0 =	vand.u32 $0xE0000, v0;
	v1 =	vsel vm2, $0xFFFFFF80, v1  }
0x20: {  	v0 =	vsel vm2, $0xFFFE0000, v0;
	v2 =	vand.u32 $0xFFFFFC00, v1  }
0x21: {  	v1 =	vand.u32 $0x380, v1;
	v0 =	vadd.s32 v0, v2  }
0x22: {  	v0 =	vor.u32 v1, v0  }
0x23: {  	v0 =	vshrl.u32 v0, $0x3;
	_ =	sdelay $0x3  }
0x24: {  	s13 =	simm.s32 $0x2080  }
0x25: {  	[tilespmem:s13], [sflag:$0x1] =	stream.indirect_vreg.gather [hbm:s2], $0x80, v0, vm0, $0x38;
	[tilespmem:$0x4080] =	vst v63  }
0x26: {  	s14 =	simm.s32 $0x2480;
	s31 =	simm.s32 $0x10  }
0x27: {  	[tilespmem:s14], [sflag:$0x1] =	stream.indirect_vreg.gather [hbm:s2], $0x80, v0, vm1, $0x38;
	[tilespmem:$0x4080] =	vst v63  }
0x28: {  	s14 =	simm.s32 $0x80;
	v0 =	vld.msk [tilespmem:s31+$0x40 ss:$0x1], $0xffff  }
.LBB2_5:
0x29: {  	p0 =	sne.s32 s14, $0xC0;
	_ =	sdelay $0x4  }
0x2a: {  	v1 =	vshll.u32 v0, $0x4  }
0x2b: {  	vm2 =	veq.s32 v0, $0x80000000;
	v0 =	vshll.u32 v0, $0x11;
	v1 =	vand.u32 $0x1FF80, v1  }
0x2c: {  	v0 =	vand.u32 $0xE0000, v0;
	v1 =	vsel vm2, $0xFFFFFF80, v1  }
0x2d: {  	v0 =	vsel vm2, $0xFFFE0000, v0;
	v2 =	vand.u32 $0xFFFFFC00, v1  }
0x2e: {  	v1 =	vand.u32 $0x380, v1;
	v0 =	vadd.s32 v0, v2  }
0x2f: {  	v0 =	vor.u32 v1, v0  }
0x30: {  	v0 =	vshrl.u32 v0, $0x3;
	_ =	sdelay $0x3  }
.Ltmp4:
0x31: {  	s13 =	sadd.s32 $0x800, s13;
	(pc) =	sbr.rel @p0 .LBB2_5-.Ltmp4, $4  }
0x32: {  	[tilespmem:s13], [sflag:$0x1] =	stream.indirect_vreg.gather [hbm:s2], $0x80, v0, vm0, $0x38;
	[tilespmem:$0x4080] =	vst v63  }
0x33: {  	s15 =	sshra.s32 s14, $0x2;
	s16 =	sadd.s32 $0x400, s13  }
0x34: {  	[tilespmem:s16], [sflag:$0x1] =	stream.indirect_vreg.gather [hbm:s2], $0x80, v0, vm1, $0x38;
	[tilespmem:$0x4080] =	vst v63  }
0x35: {  	s14 =	sadd.s32 $0x40, s14;
	v0 =	vld.msk [tilespmem:s15+$0x40 ss:$0x1], $0xffff  }
0x36: {  	_ =	sdelay $0x3  }
0x37: {  	v1 =	vshll.u32 v0, $0x4  }
0x38: {  	vm2 =	veq.s32 v0, $0x80000000;
	v63 =	vshll.u32 v0, $0x11;
	v1 =	vand.u32 $0x1FF80, v1  }
0x39: {  	v0 =	vand.u32 $0xE0000, v63;
	v1 =	vsel vm2, $0xFFFFFF80, v1  }
0x3a: {  	v0 =	vsel vm2, $0xFFFE0000, v0;
	v2 =	vand.u32 $0xFFFFFC00, v1  }
0x3b: {  	v1 =	vand.u32 $0x380, v1;
	v0 =	vadd.s32 v0, v2  }
0x3c: {  	v0 =	vor.u32 v1, v0  }
0x3d: {  	v0 =	vshrl.u32 v0, $0x3;
	_ =	sdelay $0x3  }
0x3e: {  	s13 =	sadd.s32 $0x800, s13  }
0x3f: {  	[tilespmem:s13], [sflag:$0x1] =	stream.indirect_vreg.gather [hbm:s2], $0x80, v0, vm0, $0x38;
	[tilespmem:$0x4080] =	vst v63  }
0x40: {  	s13 =	sadd.s32 $0x400, s13  }
0x41: {  	[tilespmem:s13], [sflag:$0x1] =	stream.indirect_vreg.gather [hbm:s2], $0x80, v0, vm1, $0x38;
	[tilespmem:$0x4080] =	vst v63  }
0x42: {  	s12 =	sshll.u32 s12, $0x4;
	s14 =	simm.s32 $0x80;
	_ =	swait.ge [sflag:s5], $0x2000  }
0x43: {  	s15 =	simm.s32 $0x2480;
	s12 =	sadd.s32 s12, s4;
	[sflag:s5] =	ssyncset.done $0x0  }
0x44: {  	s16 =	sadd.s32 $0x0, s12;
	s13 =	simm.s32 $0x2080;
	[sflag:s5] =	ssyncadd.s32 $0xFFFFE000  }
.LBB2_7:
0x45: {  	[hbm:s16] =	stream.linear.scatter [tilespmem:s13], [sflag:$0x3], $0x400, $0x38;
	[tilespmem:$0x4080] =	vst v63  }
0x46: {  	s16 =	smov.u32 s14;
	s13 =	smov.u32 s15;
	p0 =	sne.s32 s14, $0x380  }
.Ltmp5:
0x47: {  	s14 =	sadd.s32 $0x80, s14;
	(pc) =	sbr.rel @p0 .LBB2_7-.Ltmp5, $2  }
0x48: {  	_ =	sdelay $0x2  }
0x49: {  	s15 =	sadd.s32 $0x400, s15;
	s16 =	sadd.s32 s16, s12  }
.Ltmp6:
0x4a: {  	(pc) =	sbr.rel .LBB2_9-.Ltmp6, $2  }
0x4b: {  	_ =	sdelay $0x2  }
0x4c: {  	[hbm:s16] =	stream.linear.scatter [tilespmem:s13], [sflag:$0x3], $0x400, $0x38;
	[tilespmem:$0x4080] =	vst v63  }
.LBB2_2:
.Ltmp7:
0x4d: {  	(pc) =	sbr.rel .LBB2_10-.Ltmp7, $4  }
0x4e: {  	_ = 	snop  }
0x4f: {  	s12 =	sshrl.u32 s11, $0x3  }
0x50: {  	s13 =	sand.u32 $0x7, s11;
	s12 =	sadd.s32 s3, s12  }
0x51: {  	[tilespmem:s9], [sflag:$0x2] =	stream.linear.gather [hbm4b:s12+s13], $0x40, $0x38;
	[tilespmem:$0x4080] =	vst v63  }
.LBB2_11:
0x52: {  	s2 =	simm.s32 $0x3  }
0x53: {  	_ =	swait.ge [sflag:s2], $0x2000  }
0x54: {  	[sflag:s2] =	ssyncset.done $0x0  }
0x55: {  	[sflag:s2] =	ssyncadd.s32 $0xFFFFE000  }
0x56: {  	_ =	sfence.sel $0x180000  }
0x57: {  	s3 =	simm.s32 $0x2;
	[bflag:$0x0] =	sbarrier.arrive $0xFFFF  }
0x58: {  	[sflag:s3] =	ssyncpa.u1 $0x1  }
0x59: {  	s31 =	simm.s32 $0x1;
	[sflag:s2] =	ssyncpa.u1 $0x1  }
0x5a: {  	[sflag:s31] =	ssyncpa.u1 $0x1  }
0x5b: {  	p0 =	sne.s32 s1, $0x0;
	_ =	strace $0x9000004A  }
0x5c: {  	s0 =	sadd.s32 @!p0 $0x100000, s0;
	[bflag:$0x2] =	sbarrier.arrive $0xFFFF  }
0x5d: {  	[sflag:s0] =	ssyncadd.tile.s32 @!p0 $0x1;
	_ =	shalt  }
.Lfunc_end2:
_tile_overlayer_lowered:
.L_overlay_start_2:
0x5e: {  	(tag) =	ssettag $0x2  }
0x5f: {  	s0 =	rddreg [dreg:$0x0];
	s2 =	stileid.u32  }
0x60: {  	s1 =	rddreg [dreg:$0x1];
	p0 =	sne.s32 s2, $0x0  }
0x61: {  	s3 =	rddreg [dreg:$0x2];
	[bflag:$0x3] =	sbarrier.arrive $0xFFFF;
	s2 =	simm.s32 @!p0 $0x1C01  }
0x62: {  	[timem:s3], [sflag:s2] =	dma.local @!p0 [hbm:s0], s1  }
0x63: {  	s0 =	simm.s32 @!p0 $0x1  }
0x64: {  	_ =	swait.ge @!p0 [sflag:s0], s1  }
0x65: {  	s1 =	ssub.s32 @!p0 $0x0, s1;
	[sflag:s0] =	ssyncset.done @!p0 $0x0  }
0x66: {  	[sflag:s0] =	ssyncadd.s32 @!p0 s1  }
0x67: {  	[bflag:$0x3] =	sbarrier.arrive $0xFFFF  }
0x68: {  	_ =	shalt  }

// kernel: gather_offload_async_start
scs
__scs_entry_jumppad:
0x0: {  	(pc) =	sbr.rel $0x88, $3  }
0x1: {  	(tag) =	ssettag $0x0;
	lr =	simm.s32 $0x1  }
0x2: {  	[smem:$0x3F92] =	sst lr;
	_ =	strace $0xD0000000  }
0x3: {  	_ = 	snop  }
0x4: {  	_ = 	snop  }
0x5: {  	_ = 	snop  }
0x6: {  	_ = 	snop  }
0x7: {  	_ = 	snop  }
__scs_overlays_trampoline_lowered:
0x8: {  	[smem:$0x3FA1] =	sst s0  }
0x9: {  	[smem:$0x3FA2] =	sst s1  }
0xa: {  	[smem:$0x3FA3] =	sst s2  }
0xb: {  	[smem:$0x3FA4] =	sst s3  }
0xc: {  	[smem:$0x3FA5] =	sst s4  }
0xd: {  	[smem:$0x3FA6] =	sst s5  }
0xe: {  	[smem:$0x3FA7] =	sst s6  }
0xf: {  	[smem:$0x3FA8] =	sst s7  }
0x10: {  	[smem:$0x3FA9] =	sst s8  }
0x11: {  	[smem:$0x3FAA] =	sst s9;
	s0 =	simm.s32 @!p0 $0x0  }
0x12: {  	s1 =	sld [smem:$0x3F90];
	s0 =	simm.s32 @p0 $0x1  }
0x13: {  	[smem:$0x3FAB] =	sst s0;
	s0 =	simm.s32 @!p1 $0x0  }
0x14: {  	s2 =	sld [smem:$0x3F8F];
	s0 =	simm.s32 @p1 $0x1  }
0x15: {  	[smem:$0x3FAC] =	sst s0;
	s0 =	simm.s32 @!p2 $0x0  }
0x16: {  	s3 =	sld [smem:$0x3FDB];
	s0 =	simm.s32 @p2 $0x1  }
0x17: {  	s4 =	simm.s32 $0x1BF5;
	[smem:$0x3FAE] =	sst s0  }
0x18: {  	s0 =	sld [smem:$0x3F91];
	_ =	swait.ge [sflag:s4], $0x0  }
0x19: {  	s7 =	sld [smem:$0x3F92]  }
0x1a: {  	s8 =	sadd.s32 $0xFFFFE003, lr  }
0x1b: {  	s9 =	sadd.s32 $0xFFFFFEF7, lr;
	s5 =	simm.s32 $0xFFFFFFFF;
	p2 =	slt.u32 s8, $0xFFFFF086  }
0x1c: {  	p1 =	slt.u32 s9, $0xF7A;
	s5 =	simm.s32 @!p2 $0x0  }
0x1d: {  	s5 =	simm.s32 @p1 $0x1;
	p0 =	seq.s32 s7, s2  }
0x1e: {  	s7 =	smul.u32 @!p0 $0xF7A, s2;
	p2 =	seq.s32 @!p0 s5, $0x0  }
0x1f: {  	s9 =	smul.u32 $0xF7A, s1;
	s8 =	simm.s32 @!p0 $0x1BF5;
	p2 =	por !p2, p0  }
0x20: {  	[sflag:s8] =	ssyncset.s32 @!p0 $0xFFFFF086;
	s6 =	sadd.s32 @!p0 s3, s7;
	s7 =	simm.s32 @!p0 $0x108  }
0x21: {  	s3 =	sadd.s32 s3, s9;
	s6 =	sadd.s32 @!p0 $0x88, s6;
	s7 =	simm.s32 @p2 $0x1082  }
0x22: {  	[simem:s7], [sflag:s8] =	dma.local @!p0 [hbm:s6], $0xF7A  }
0x23: {  	s9 =	sor.u32 $0xD0000000, s2;
	s6 =	simm.s32 $0x108;
	_ =	swait.ge @!p0 [sflag:s8], $0x0  }
0x24: {  	s3 =	sadd.s32 $0x88, s3;
	s6 =	simm.s32 @!p1 $0x1082;
	[sflag:s4] =	ssyncset.s32 $0xFFFFF086  }
0x25: {  	[simem:s6], [sflag:s4] =	dma.local [hbm:s3], $0xF7A  }
0x26: {  	[smem:$0x3F92] =	sst s1;
	(tag) =	ssettag s2;
	_ =	strace s9  }
0x27: {  	s1 =	sld [smem:$0x3FA2]  }
0x28: {  	s2 =	sld [smem:$0x3FA3]  }
0x29: {  	s4 =	sld [smem:$0x3FA5]  }
0x2a: {  	p0 =	seq.s32 s5, $0x0;
	s5 =	sld [smem:$0x3FA6]  }
0x2b: {  	s6 =	sld [smem:$0x3FA7]  }
0x2c: {  	s7 =	sld [smem:$0x3FA8]  }
0x2d: {  	s3 =	simm.s32 $0x108;
	s8 =	sld [smem:$0x3FA9]  }
0x2e: {  	s3 =	simm.s32 @!p0 $0x1082;
	s9 =	sld [smem:$0x3FAA]  }
0x2f: {  	lr =	sadd.s32 s0, s3;
	s0 =	sld [smem:$0x3FA1]  }
0x30: {  	s3 =	sld [smem:$0x3FA4]  }
0x31: {  	[smem:$0x3FAD] =	sst s10  }
0x32: {  	s10 =	sld [smem:$0x3FAB];
	_ =	sdelay $0x3  }
0x33: {  	p0 =	seq.s32 s10, $0x1;
	s10 =	sld [smem:$0x3FAD];
	_ =	sdelay $0x3  }
0x34: {  	[smem:$0x3FAD] =	sst s10  }
0x35: {  	s10 =	sld [smem:$0x3FAC];
	_ =	sdelay $0x3  }
0x36: {  	p1 =	seq.s32 s10, $0x1;
	s10 =	sld [smem:$0x3FAD];
	_ =	sdelay $0x3  }
0x37: {  	[smem:$0x3FAD] =	sst s10  }
0x38: {  	s10 =	sld [smem:$0x3FAE]  }
0x39: {  	_ = 	snop;
	(pc) =	sbr.ind lr, $3  }
0x3a: {  	_ = 	snop  }
0x3b: {  	_ = 	snop  }
0x3c: {  	p2 =	seq.s32 s10, $0x1;
	s10 =	sld [smem:$0x3FAD]  }
0x3d: {  	_ =	shalt  }
0x3e: {  	_ =	shalt  }
0x3f: {  	_ =	shalt  }
0x40: {  	_ =	shalt  }
0x41: {  	_ =	shalt  }
0x42: {  	_ =	shalt  }
0x43: {  	_ =	shalt  }
0x44: {  	_ =	shalt  }
0x45: {  	_ =	shalt  }
0x46: {  	_ =	shalt  }
0x47: {  	_ =	shalt  }
0x48: {  	_ =	shalt  }
0x49: {  	_ =	shalt  }
0x4a: {  	_ =	shalt  }
0x4b: {  	_ =	shalt  }
0x4c: {  	_ =	shalt  }
0x4d: {  	_ =	shalt  }
0x4e: {  	_ =	shalt  }
0x4f: {  	_ =	shalt  }
0x50: {  	_ =	shalt  }
0x51: {  	_ =	shalt  }
0x52: {  	_ =	shalt  }
0x53: {  	_ =	shalt  }
0x54: {  	_ =	shalt  }
0x55: {  	_ =	shalt  }
0x56: {  	_ =	shalt  }
0x57: {  	_ =	shalt  }
0x58: {  	_ =	shalt  }
0x59: {  	_ =	shalt  }
0x5a: {  	_ =	shalt  }
0x5b: {  	_ =	shalt  }
0x5c: {  	_ =	shalt  }
0x5d: {  	_ =	shalt  }
0x5e: {  	_ =	shalt  }
0x5f: {  	_ =	shalt  }
0x60: {  	_ =	shalt  }
0x61: {  	_ =	shalt  }
0x62: {  	_ =	shalt  }
0x63: {  	_ =	shalt  }
0x64: {  	_ =	shalt  }
0x65: {  	_ =	shalt  }
0x66: {  	_ =	shalt  }
0x67: {  	_ =	shalt  }
0x68: {  	_ =	shalt  }
0x69: {  	_ =	shalt  }
0x6a: {  	_ =	shalt  }
0x6b: {  	_ =	shalt  }
0x6c: {  	_ =	shalt  }
0x6d: {  	_ =	shalt  }
0x6e: {  	_ =	shalt  }
0x6f: {  	_ =	shalt  }
0x70: {  	_ =	shalt  }
0x71: {  	_ =	shalt  }
0x72: {  	_ =	shalt  }
0x73: {  	_ =	shalt  }
0x74: {  	_ =	shalt  }
0x75: {  	_ =	shalt  }
0x76: {  	_ =	shalt  }
0x77: {  	_ =	shalt  }
0x78: {  	_ =	shalt  }
0x79: {  	_ =	shalt  }
0x7a: {  	_ =	shalt  }
0x7b: {  	_ =	shalt  }
0x7c: {  	_ =	shalt  }
0x7d: {  	_ =	shalt  }
0x7e: {  	_ =	shalt  }
0x7f: {  	_ =	shalt  }
0x80: {  	_ =	shalt  }
0x81: {  	_ =	shalt  }
0x82: {  	_ =	shalt  }
0x83: {  	_ =	shalt  }
0x84: {  	_ =	shalt  }
0x85: {  	_ =	shalt  }
0x86: {  	_ =	shalt  }
0x87: {  	_ =	shalt  }
.Lfunc_end0:
.L_simem_size_0:
called_computation_lowered:
.L_overlay_start_0:
0x88: {  	s2 =	sld [smem:$0x3FD9]  }
0x89: {  	s3 =	sld [smem:$0x3FFE];
	_ =	sdelay $0x1  }
0x8a: {  	s1 =	srdreg.scid  }
0x8b: {  	s0 =	sand.u32 $0x1, s1  }
0x8c: {  	s14 =	sshll.u32 s0, $0xA;
	s2 =	sadd.s32 s3, s2  }
0x8d: {  	s2 =	sadd.s32 s2, s14  }
0x8e: {  	[smem:$0x3FB9] =	sst s2  }
0x8f: {  	_ = 	snop  }
0x90: {  	s2 =	sld [smem:$0x3FD0];
	_ =	sdelay $0x2  }
0x91: {  	s15 =	simm.s32 $0xA;
	s4 =	simm.s32 $0x10  }
0x92: {  	[smem:s4], [sflag:s15] =	dma.local [hbm:s2], $0x1  }
0x93: {  	_ =	swait.eq [sflag:s15], $0x1  }
0x94: {  	[sflag:s15] =	ssyncset.done $0x0  }
0x95: {  	[sflag:s15] =	ssyncadd.s32 $0xFFFFFFFF  }
0x96: {  	s16 =	sld [smem:$0x12];
	(tm) =	ssettm $0x1  }
0x97: {  	s17 =	sld [smem:$0x3FFB];
	_ =	sdelay $0x3  }
0x98: {  	_ =	strace s17  }
0x99: {  	s3 =	sld [smem:$0x3FFC];
	_ =	sdelay $0x3  }
0x9a: {  	_ =	strace s3  }
0x9b: {  	s3 =	sld [smem:$0x3FFD];
	_ =	sdelay $0x3  }
0x9c: {  	_ =	strace s3  }
0x9d: {  	_ =	strace $0x8FFFFFFF  }
0x9e: {  	s18 =	sld [smem:$0x3FDB];
	_ =	sdelay $0x1  }
0x9f: {  	s19 =	simm.s32 $_scs_section_size  }
0xa0: {  	s5 =	simm.s32 $_size__tile_overlayer_lowered;
	s6 =	simm.s32 $_tile_overlayer_lowered  }
0xa1: {  	s22 =	simm.s32 $0x1BFF;
	s21 =	sshll.u32 s6, $0x1;
	s3 =	sadd.s32 s19, s18  }
0xa2: {  	s7 =	simm.s32 $0x0;
	s20 =	sshll.u32 s5, $0x1;
	s5 =	sadd.s32 s21, s3  }
0xa3: {  	[timem:s7], [sflag:s22] =	dma.local [hbm:s5], s20  }
0xa4: {  	_ =	swait.ge [sflag:s22], s20  }
0xa5: {  	s4 =	ssub.s32 $0x0, s20;
	[sflag:s22] =	ssyncset.done $0x0  }
0xa6: {  	[sflag:s22] =	ssyncadd.s32 s4;
	_ =	sdelay $0x1  }
0xa7: {  	s23 =	simm.s32 $0x1B8B  }
0xa8: {  	_ =	swait.ge [sflag:s23], $0x1  }
0xa9: {  	[sflag:s23] =	ssyncset.done $0x0  }
0xaa: {  	s25 =	simm.s32 $0x1B8E;
	s24 =	sld [smem:$0x3FFE];
	[sflag:s23] =	ssyncadd.s32 $0xFFFFFFFF  }
0xab: {  	s26 =	simm.s32 $execute0_lowered;
	[smem:$0x3FD2] =	sst s25  }
0xac: {  	s5 =	sshll.u32 s26, $0x1;
	_ =	strace $0x80000046;
	[dreg:$0x1] =	wrdreg $0xFFFFFFFF  }
0xad: {  	s28 =	simm.s32 $_size_execute0_lowered;
	s3 =	sadd.s32 s3, s5;
	[dreg:$0x0] =	wrdreg $0x0  }
0xae: {  	s5 =	sshll.u32 s28, $0x1;
	[dreg:$0x2] =	wrdreg s3  }
0xaf: {  	[dreg:$0x3] =	wrdreg s5  }
0xb0: {  	[dreg:$0x4] =	wrdreg $0xC0  }
0xb1: {  	_ =	task [dreg:s7], $0x5FFFF  }
0xb2: {  	[dreg:$0x1] =	wrdreg $0xFFFFFFFF  }
0xb3: {  	[dreg:$0x0] =	wrdreg $0x60  }
0xb4: {  	[dreg:$0x2] =	wrdreg s24  }
0xb5: {  	[dreg:$0x3] =	wrdreg s16  }
0xb6: {  	[dreg:$0x4] =	wrdreg $0x9  }
0xb7: {  	_ =	task.clear_ibuf [dreg:s7], $0x5FFFF;
	_ =	strace $0x90000046  }
0xb8: {  	s29 =	simm.s32 $0x9;
	_ =	strace $0x80000048  }
0xb9: {  	_ =	swait.ge [sflag:s29], $0x1  }
0xba: {  	[sflag:s29] =	ssyncadd.s32 $0xFFFFFFFF  }
0xbb: {  	_ =	strace $0x90000048  }
0xbc: {  	_ =	sfence  }
0xbd: {  	s30 =	sld [smem:$0x0];
	_ =	sdelay $0x2  }
0xbe: {  	s31 =	sshll.u32 s1, $0xD;
	s1 =	sshrl.u32 s1, $0x2  }
0xbf: {  	s3 =	sand.u32 $0x4000, s31;
	s1 =	sadd.s32 s1, s30  }
0xc0: {  	s0 =	sor.u32 s3, s0;
	s1 =	sshll.u32 s1, $0x11  }
0xc1: {  	s0 =	sor.u32 s1, s0  }
0xc2: {  	s0 =	sadd.s32 $0x8F2B, s0  }
0xc3: {  	[sflag:s0] =	ssyncadd.remote.s32 $0x1  }
0xc4: {  	_ =	sfence.sel $0xFFFF  }
0xc5: {  	[dreg:$0x0] =	wrdreg $0xFFFFFFFF;
	(pc) =	sbr.abs _section_cstart, $3  }
0xc6: {  	[dreg:$0x1] =	wrdreg $0xFFFFFFFF  }
0xc7: {  	_ =	task.clear_ibuf [dreg:s7], $0x2FFFF;
	_ =	strace $0x9FFFFFFF  }
0xc8: {  	(tm) =	ssettm $0x7FFFFFFF  }
0xc9: {  	_ =	shalt  }
tec
execute0_lowered:
.L_overlay_start_1:
0x0: {  	(tag) =	ssettag $0x1  }
0x1: {  	s2 =	rddreg [dreg:$0x0]  }
0x2: {  	s3 =	rddreg [dreg:$0x1]  }
0x3: {  	s0 =	rddreg [dreg:$0x2];
	s1 =	srdreg.scid;
	_ =	strace $0x80000047  }
0x4: {  	s4 =	simm.s32 $0x1;
	s9 =	simm.s32 $0x3;
	s5 =	sshll.u32 s1, $0x4  }
.Ltmp0:
0x5: {  	s1 =	stileid.u32;
	s5 =	sand.u32 $0x10, s5;
	(pc) =	sbr.rel .LBB2_1-.Ltmp0, $4  }
0x6: {  	s12 =	simm.s32 $0x0;
	s10 =	simm.s32 $0x0;
	s6 =	sor.u32 s1, s5  }
0x7: {  	[sflag:s4] =	ssyncpa.u1 $0x0;
	s5 =	simm.s32 $0x2;
	s6 =	sshll.u32 s6, $0x8  }
0x8: {  	s7 =	sadd.s32 $0x80000, s2;
	[sflag:s5] =	ssyncpa.u1 $0x0;
	s8 =	sadd.s32 $0x100, s6  }
0x9: {  	vm0 =	vmmov $0xff;
	vm1 =	vcmask $0x3F20;
	[sflag:s9] =	ssyncpa.u1 $0x0;
	s9 =	simm.s32 $0x100;
	s11 =	smov.u32 s6  }
.LBB2_9:
0xa: {  	p0 =	seq.s32 s10, $0x2  }
.Ltmp1:
0xb: {  	_ = 	snop;
	(pc) =	sbr.rel @p0 .LBB2_11-.Ltmp1, $1  }
0xc: {  	_ =	sdelay $0x3  }
.LBB2_10:
0xd: {  	s12 =	sadd.s32 $0x100, s11  }
0xe: {  	s13 =	smov.u32 s6;
	p0 =	slt.s32 s12, s8  }
0xf: {  	s13 =	smov.u32 @p0 s12  }
0x10: {  	s10 =	sadd.s32 $0x1, s10;
	s12 =	smov.u32 s11;
	s11 =	smov.u32 s13  }
.LBB2_1:
0x11: {  	p0 =	sne.s32 s10, $0x0  }
.Ltmp2:
0x12: {  	_ = 	snop;
	(pc) =	sbr.rel @!p0 .LBB2_2-.Ltmp2, $1  }
0x13: {  	_ =	sdelay $0x3  }
0x14: {  	s13 =	sand.u32 $0x1, s10  }
0x15: {  	p0 =	seq.s32 s13, $0x0  }
.Ltmp3:
0x16: {  	_ = 	snop;
	(pc) =	sbr.rel @p0 .LBB2_9-.Ltmp3, $1  }
0x17: {  	_ =	sdelay $0x3  }
0x18: {  	_ =	swait.ge [sflag:s5], $0x100  }
0x19: {  	[sflag:s5] =	ssyncset.done $0x0  }
0x1a: {  	s13 =	simm.s32 $0x0;
	[sflag:s5] =	ssyncadd.s32 $0xFFFFFF00  }
0x1b: {  	v0 =	vld.msk [tilespmem:s13+$0x100 ss:$0x1], $0xffff;
	_ =	sdelay $0x4  }
0x1c: {  	v1 =	vshll.u32 v0, $0x4  }
0x1d: {  	vm2 =	veq.s32 v0, $0x80000000;
	v0 =	vshll.u32 v0, $0x12;
	v1 =	vand.u32 $0x3FF80, v1  }
0x1e: {  	v0 =	vand.u32 $0x1C0000, v0;
	v1 =	vsel vm2, $0xFFFFFF80, v1  }
0x1f: {  	v0 =	vsel vm2, $0xFFFC0000, v0;
	v2 =	vand.u32 $0xFFFFFC00, v1  }
0x20: {  	v1 =	vand.u32 $0x380, v1;
	v0 =	vadd.s32 v0, v2  }
0x21: {  	v0 =	vor.u32 v1, v0  }
0x22: {  	v0 =	vshrl.u32 v0, $0x3;
	_ =	sdelay $0x3  }
0x23: {  	s13 =	simm.s32 $0x8200  }
0x24: {  	[tilespmem:s13], [sflag:$0x1] =	stream.indirect_vreg.gather [hbm:s2], $0x80, v0, vm0, $0x38;
	[tilespmem:$0x10200] =	vst v63  }
0x25: {  	s14 =	simm.s32 $0x8600;
	s31 =	simm.s32 $0x10  }
0x26: {  	[tilespmem:s14], [sflag:$0x1] =	stream.indirect_vreg.gather [hbm:s2], $0x80, v0, vm1, $0x38;
	[tilespmem:$0x10200] =	vst v63  }
0x27: {  	s14 =	simm.s32 $0x80;
	v0 =	vld.msk [tilespmem:s31+$0x100 ss:$0x1], $0xffff  }
.LBB2_5:
0x28: {  	p0 =	sne.s32 s14, $0x3C0;
	_ =	sdelay $0x4  }
0x29: {  	v1 =	vshll.u32 v0, $0x4  }
0x2a: {  	vm2 =	veq.s32 v0, $0x80000000;
	v0 =	vshll.u32 v0, $0x12;
	v1 =	vand.u32 $0x3FF80, v1  }
0x2b: {  	v0 =	vand.u32 $0x1C0000, v0;
	v1 =	vsel vm2, $0xFFFFFF80, v1  }
0x2c: {  	v0 =	vsel vm2, $0xFFFC0000, v0;
	v2 =	vand.u32 $0xFFFFFC00, v1  }
0x2d: {  	v1 =	vand.u32 $0x380, v1;
	v0 =	vadd.s32 v0, v2  }
0x2e: {  	v0 =	vor.u32 v1, v0  }
0x2f: {  	v0 =	vshrl.u32 v0, $0x3;
	_ =	sdelay $0x3  }
.Ltmp4:
0x30: {  	s13 =	sadd.s32 $0x800, s13;
	(pc) =	sbr.rel @p0 .LBB2_5-.Ltmp4, $4  }
0x31: {  	[tilespmem:s13], [sflag:$0x1] =	stream.indirect_vreg.gather [hbm:s2], $0x80, v0, vm0, $0x38;
	[tilespmem:$0x10200] =	vst v63  }
0x32: {  	s15 =	sshra.s32 s14, $0x2;
	s16 =	sadd.s32 $0x400, s13  }
0x33: {  	[tilespmem:s16], [sflag:$0x1] =	stream.indirect_vreg.gather [hbm:s2], $0x80, v0, vm1, $0x38;
	[tilespmem:$0x10200] =	vst v63  }
0x34: {  	s14 =	sadd.s32 $0x40, s14;
	v0 =	vld.msk [tilespmem:s15+$0x100 ss:$0x1], $0xffff  }
0x35: {  	_ =	sdelay $0x3  }
0x36: {  	v1 =	vshll.u32 v0, $0x4  }
0x37: {  	vm2 =	veq.s32 v0, $0x80000000;
	v63 =	vshll.u32 v0, $0x12;
	v1 =	vand.u32 $0x3FF80, v1  }
0x38: {  	v0 =	vand.u32 $0x1C0000, v63;
	v1 =	vsel vm2, $0xFFFFFF80, v1  }
0x39: {  	v0 =	vsel vm2, $0xFFFC0000, v0;
	v2 =	vand.u32 $0xFFFFFC00, v1  }
0x3a: {  	v1 =	vand.u32 $0x380, v1;
	v0 =	vadd.s32 v0, v2  }
0x3b: {  	v0 =	vor.u32 v1, v0  }
0x3c: {  	v0 =	vshrl.u32 v0, $0x3;
	_ =	sdelay $0x3  }
0x3d: {  	s13 =	sadd.s32 $0x800, s13  }
0x3e: {  	[tilespmem:s13], [sflag:$0x1] =	stream.indirect_vreg.gather [hbm:s2], $0x80, v0, vm0, $0x38;
	[tilespmem:$0x10200] =	vst v63  }
0x3f: {  	s13 =	sadd.s32 $0x400, s13  }
0x40: {  	[tilespmem:s13], [sflag:$0x1] =	stream.indirect_vreg.gather [hbm:s2], $0x80, v0, vm1, $0x38;
	[tilespmem:$0x10200] =	vst v63  }
0x41: {  	s12 =	sshll.u32 s12, $0x4;
	s14 =	simm.s32 $0x80;
	_ =	swait.ge [sflag:s4], $0x8000  }
0x42: {  	s15 =	simm.s32 $0x8600;
	s12 =	sadd.s32 s12, s7;
	[sflag:s4] =	ssyncset.done $0x0  }
0x43: {  	s16 =	sadd.s32 $0x0, s12;
	s13 =	simm.s32 $0x8200;
	[sflag:s4] =	ssyncadd.s32 $0xFFFF8000  }
.LBB2_7:
0x44: {  	[hbm:s16] =	stream.linear.scatter [tilespmem:s13], [sflag:$0x3], $0x400, $0x38;
	[tilespmem:$0x10200] =	vst v63  }
0x45: {  	s16 =	smov.u32 s14;
	s13 =	smov.u32 s15;
	p0 =	sne.s32 s14, $0xF80  }
.Ltmp5:
0x46: {  	s14 =	sadd.s32 $0x80, s14;
	(pc) =	sbr.rel @p0 .LBB2_7-.Ltmp5, $2  }
0x47: {  	_ =	sdelay $0x2  }
0x48: {  	s15 =	sadd.s32 $0x400, s15;
	s16 =	sadd.s32 s16, s12  }
.Ltmp6:
0x49: {  	(pc) =	sbr.rel .LBB2_9-.Ltmp6, $2  }
0x4a: {  	_ =	sdelay $0x2  }
0x4b: {  	[hbm:s16] =	stream.linear.scatter [tilespmem:s13], [sflag:$0x3], $0x400, $0x38;
	[tilespmem:$0x10200] =	vst v63  }
.LBB2_2:
.Ltmp7:
0x4c: {  	(pc) =	sbr.rel .LBB2_10-.Ltmp7, $4  }
0x4d: {  	_ = 	snop  }
0x4e: {  	s12 =	sshrl.u32 s11, $0x3  }
0x4f: {  	s13 =	sand.u32 $0x7, s11;
	s12 =	sadd.s32 s3, s12  }
0x50: {  	[tilespmem:s9], [sflag:$0x2] =	stream.linear.gather [hbm4b:s12+s13], $0x100, $0x38;
	[tilespmem:$0x10200] =	vst v63  }
.LBB2_11:
0x51: {  	s2 =	simm.s32 $0x3  }
0x52: {  	_ =	swait.ge [sflag:s2], $0x8000  }
0x53: {  	[sflag:s2] =	ssyncset.done $0x0  }
0x54: {  	[sflag:s2] =	ssyncadd.s32 $0xFFFF8000  }
0x55: {  	_ =	sfence.sel $0x180000  }
0x56: {  	s3 =	simm.s32 $0x2;
	[bflag:$0x0] =	sbarrier.arrive $0xFFFF  }
0x57: {  	[sflag:s3] =	ssyncpa.u1 $0x1  }
0x58: {  	s31 =	simm.s32 $0x1;
	[sflag:s2] =	ssyncpa.u1 $0x1  }
0x59: {  	[sflag:s31] =	ssyncpa.u1 $0x1  }
0x5a: {  	p0 =	sne.s32 s1, $0x0;
	_ =	strace $0x90000047  }
0x5b: {  	s0 =	sadd.s32 @!p0 $0x100000, s0;
	[bflag:$0x2] =	sbarrier.arrive $0xFFFF  }
0x5c: {  	[sflag:s0] =	ssyncadd.tile.s32 @!p0 $0x1;
	_ =	shalt  }
.Lfunc_end2:
_tile_overlayer_lowered:
.L_overlay_start_2:
0x5d: {  	(tag) =	ssettag $0x2  }
0x5e: {  	s0 =	rddreg [dreg:$0x0];
	s2 =	stileid.u32  }
0x5f: {  	s1 =	rddreg [dreg:$0x1];
	p0 =	sne.s32 s2, $0x0  }
0x60: {  	s3 =	rddreg [dreg:$0x2];
	[bflag:$0x3] =	sbarrier.arrive $0xFFFF;
	s2 =	simm.s32 @!p0 $0x1C01  }
0x61: {  	[timem:s3], [sflag:s2] =	dma.local @!p0 [hbm:s0], s1  }
0x62: {  	s0 =	simm.s32 @!p0 $0x1  }
0x63: {  	_ =	swait.ge @!p0 [sflag:s0], s1  }
0x64: {  	s1 =	ssub.s32 @!p0 $0x0, s1;
	[sflag:s0] =	ssyncset.done @!p0 $0x0  }
0x65: {  	[sflag:s0] =	ssyncadd.s32 @!p0 s1  }
0x66: {  	[bflag:$0x3] =	sbarrier.arrive $0xFFFF  }
0x67: {  	_ =	shalt  }

</sc_bundles>
